<compile_context>
chip_gen: v7x
topology: tpu7x:2x2x1
jax: 0.10.2.dev20260603
libtpu: 0.0.44.dev20260713+nightly
codegen_flags: <defaults>
</compile_context>

<pallas_src>
import functools

import jax
import jax.numpy as jnp
from jax import lax
from jax.experimental import pallas as pl
from jax.experimental.pallas import tpu as pltpu
from jax.experimental.pallas import tpu_sc as plsc

N = 4096
D = 768
E = 8
B = 256
NBLK = N // B + E
P = NBLK * B

NC = 2
NS = 16
NW = NC * NS
_CHUNK = 64


def _make_row_gather(n_rows_out):
    rows_per_tile = n_rows_out // NW
    nchunks = rows_per_tile // _CHUNK
    assert rows_per_tile % _CHUNK == 0
    mesh = plsc.VectorSubcoreMesh(core_axis_name="c", subcore_axis_name="s",
                                  num_cores=NC, num_subcores=NS)

    @functools.partial(
        pl.kernel,
        mesh=mesh,
        out_type=jax.ShapeDtypeStruct((n_rows_out, D), jnp.float32),
        scratch_types=[
            pltpu.VMEM((rows_per_tile,), jnp.int32),
            pltpu.VMEM((_CHUNK, D), jnp.float32),
            pltpu.VMEM((_CHUNK, D), jnp.float32),
            pltpu.SemaphoreType.DMA,
            pltpu.SemaphoreType.DMA,
            pltpu.SemaphoreType.DMA,
        ],
    )
    def gather_kernel(table_hbm, idx_hbm, out_hbm, idx_v, buf0, buf1, gsem,
                      ssem0, ssem1):
        wid = lax.axis_index("s") * NC + lax.axis_index("c")
        base = wid * rows_per_tile
        pltpu.sync_copy(idx_hbm.at[pl.ds(base, rows_per_tile)], idx_v)
        bufs = (buf0, buf1)
        ssems = (ssem0, ssem1)
        stores = [None, None]
        for k in range(nchunks):
            b = k % 2
            if stores[b] is not None:
                stores[b].wait()
            g = pltpu.async_copy(
                table_hbm.at[idx_v.at[pl.ds(k * _CHUNK, _CHUNK)]],
                bufs[b], gsem)
            g.wait()
            stores[b] = pltpu.async_copy(
                bufs[b], out_hbm.at[pl.ds(base + k * _CHUNK, _CHUNK)],
                ssems[b])
        for s in stores:
            if s is not None:
                s.wait()

    return gather_kernel


_gather_combine = _make_row_gather(N)

_TPT = N // NW


def _make_route_dispatch():
    mesh = plsc.VectorSubcoreMesh(core_axis_name="c", subcore_axis_name="s",
                                  num_cores=NC, num_subcores=NS)

    @functools.partial(
        pl.kernel,
        mesh=mesh,
        out_type=jax.ShapeDtypeStruct((P, D), jnp.float32),
        scratch_types=[
            pltpu.VMEM((_TPT, D), jnp.float32),
            pltpu.VMEM((_TPT,), jnp.int32),
            pltpu.SemaphoreType.DMA,
            pltpu.SemaphoreType.DMA,
        ],
    )
    def route_kernel(x_hbm, dst_hbm, xs_hbm, rows_v, dst_v, rsem, ssem):
        wid = lax.axis_index("s") * NC + lax.axis_index("c")
        base_tok = wid * _TPT
        rows_cp = pltpu.async_copy(x_hbm.at[pl.ds(base_tok, _TPT)], rows_v,
                                   rsem)
        pltpu.sync_copy(dst_hbm.at[pl.ds(base_tok, _TPT)], dst_v)
        rows_cp.wait()
        pltpu.async_copy(rows_v, xs_hbm.at[dst_v], ssem).wait()

    return route_kernel


_route_dispatch = _make_route_dispatch()


def _mlp_block_kernel(block_expert_ref, used_ref, xs_ref, W1_ref, b1_ref,
                      W2_ref, b2_ref, ys_ref):
    b = pl.program_id(0)

    @pl.when(b < used_ref[0])
    def _():
        h = jnp.dot(xs_ref[...], W1_ref[0], preferred_element_type=jnp.float32)
        h = jnp.maximum(h + b1_ref[0, 0], 0.0)
        y = jnp.dot(h, W2_ref[0], preferred_element_type=jnp.float32)
        ys_ref[...] = y + b2_ref[0, 0]


def _grouped_mlp(block_expert, used, xs, W1, b1, W2, b2):
    clamp = lambda i, u: jnp.minimum(i, u[0] - 1)
    grid_spec = pltpu.PrefetchScalarGridSpec(
        num_scalar_prefetch=2,
        grid=(NBLK,),
        in_specs=[
            pl.BlockSpec((B, D), lambda i, be, u: (clamp(i, u), 0)),
            pl.BlockSpec((1, D, D), lambda i, be, u: (be[clamp(i, u)], 0, 0)),
            pl.BlockSpec((1, 1, D), lambda i, be, u: (be[clamp(i, u)], 0, 0)),
            pl.BlockSpec((1, D, D), lambda i, be, u: (be[clamp(i, u)], 0, 0)),
            pl.BlockSpec((1, 1, D), lambda i, be, u: (be[clamp(i, u)], 0, 0)),
        ],
        out_specs=pl.BlockSpec((B, D), lambda i, be, u: (clamp(i, u), 0)),
    )
    return pl.pallas_call(
        _mlp_block_kernel,
        grid_spec=grid_spec,
        out_shape=jax.ShapeDtypeStruct((P, D), jnp.float32),
    )(block_expert, used, xs, W1, b1.reshape(E, 1, D), W2, b2.reshape(E, 1, D))


def kernel(x, task_ids, W1, b1, W2, b2):
    tid = task_ids.astype(jnp.int32)

    onehot = (tid[:, None] == jnp.arange(E)[None, :]).astype(jnp.float32)
    prefix = jnp.cumsum(onehot, axis=0)
    counts = prefix[-1].astype(jnp.int32)
    pblocks = (counts + B - 1) // B
    cb = jnp.cumsum(pblocks)
    base = (cb - pblocks) * B
    rank = jnp.sum(prefix * onehot, axis=1) - 1.0
    dst = (jnp.sum(onehot * base[None, :].astype(jnp.float32), axis=1)
           + rank).astype(jnp.int32)
    used = cb[-1].astype(jnp.int32)[None]
    blk = jnp.arange(NBLK)
    block_expert = jnp.minimum(
        jnp.sum(blk[:, None] >= cb[None, :], axis=1), E - 1
    ).astype(jnp.int32)

    xs = _route_dispatch(x, dst)
    ys = _grouped_mlp(block_expert, used, xs, W1, b1, W2, b2)
    return _gather_combine(ys, dst)

# --- scband reference (transcript-rebuilt; emitter-appended) ---
"""Pipeline reference for scband-multi-task-connector-20023137534859 (READ-ONLY COPY).

The authoritative reference and input builder live on the scoring server;
editing this copy changes nothing except your own understanding.
"""

import jax, jax.numpy as jnp
import numpy as np

N = 4096   # batch(2) * seq_len(2048) flattened tokens
D = 768    # hidden_dim
E = 8      # number of tasks (task_networks)


def setup_inputs(seed: int = 0) -> dict:
    key = jax.random.key(seed)
    ks = jax.random.split(key, 6)
    x = jax.random.normal(ks[0], (N, D), dtype=jnp.float32)
    task_ids = jax.random.randint(ks[1], (N,), 0, E, dtype=jnp.int64)
    # xavier_uniform init as in _reset_params for nn.Linear(D, D)
    limit = float(np.sqrt(6.0 / (D + D)))
    W1 = jax.random.uniform(ks[2], (E, D, D), minval=-limit, maxval=limit, dtype=jnp.float32)
    b1 = jnp.zeros((E, D), dtype=jnp.float32)
    W2 = jax.random.uniform(ks[3], (E, D, D), minval=-limit, maxval=limit, dtype=jnp.float32)
    b2 = jnp.zeros((E, D), dtype=jnp.float32)
    return {"x": x, "task_ids": task_ids, "W1": W1, "b1": b1, "W2": W2, "b2": b2}


def reference(x, task_ids, W1, b1, W2, b2):
    # Faithful translation of MultiTaskConnector.multi_tasking:
    # 1) group batch elements by task id (batch_tree_dict / batch_task_indices)
    # 2) run each group through its task network (2-layer MLP head per task)
    # 3) scatter task outputs back into original batch order
    #    (batch_indices_to_task_indices reassembly)
    out = jnp.zeros_like(x)
    for e in range(E):
        mask = (task_ids == e)[:, None]
        h = jnp.maximum(x @ W1[e] + b1[e], 0.0)       # task net layer 1 + ReLU
        ye = h @ W2[e] + b2[e]                        # task net layer 2
        out = jnp.where(mask, ye, out)                # place group's rows in batch order
    return out

if __name__ == "__main__":
    import jax
    _d = setup_inputs()
    print(jax.jit(kernel)(*tuple(_d.values())))

</pallas_src>

<mosaic_0001>
#map = affine_map<(d0, d1) -> (0, 0)>
#map1 = affine_map<(d0, d1) -> (0)>
module attributes {stable_mosaic.version = 14 : i64} {
  func.func @gather_kernel(%arg0: i32, %arg1: i32, %arg2: memref<6144x768xf32, #tpu.memory_space<hbm>>, %arg3: memref<4096xi32, #tpu.memory_space<hbm>>, %arg4: memref<4096x768xf32, #tpu.memory_space<hbm>>, %arg5: memref<128xi32, #tpu.memory_space<vmem>>, %arg6: memref<64x768xf32, #tpu.memory_space<vmem>>, %arg7: memref<64x768xf32, #tpu.memory_space<vmem>>, %arg8: memref<!tpu.dma_semaphore, #tpu.memory_space<semaphore_mem>>, %arg9: memref<!tpu.dma_semaphore, #tpu.memory_space<semaphore_mem>>, %arg10: memref<!tpu.dma_semaphore, #tpu.memory_space<semaphore_mem>>) attributes {dimension_semantics = [#tpu.dimension_semantics<core_parallel>, #tpu.dimension_semantics<subcore_parallel>], iteration_bounds = array<i64: 2, 16>, scalar_prefetch = 0 : i64, scratch_operands = 6 : i64, tpu.core_type = #tpu.core_type<sc_vector_subcore>, window_params = [{transform_indices = #map}, {transform_indices = #map1}, {transform_indices = #map}]} {
    %mul3A = arith.constant 2 : i32
    %mul3A_0 = arith.muli %arg1, %mul3A : i32
    %add3A = arith.addi %mul3A_0, %arg0 : i32
    %mul3A_1 = arith.constant 128 : i32
    %mul3A_2 = arith.muli %add3A, %mul3A_1 : i32
    "tpu.region"() ({
      %run_scoped3A = tpu.sem_alloc : memref<!tpu.dma_semaphore, #tpu.memory_space<semaphore_mem>>
      %dma_start3A_41 = tpu.memref_slice %arg3[%mul3A_2] : memref<4096xi32, #tpu.memory_space<hbm>> -> memref<128xi32, #tpu.memory_space<hbm>>
      %dma_start3A_42 = tpu.memref_slice %arg3[%mul3A_2] : memref<4096xi32, #tpu.memory_space<hbm>> -> memref<128xi32, #tpu.memory_space<hbm>>
      tpu.enqueue_dma source(%dma_start3A_42 : memref<128xi32, #tpu.memory_space<hbm>>) target(%arg5 : memref<128xi32, #tpu.memory_space<vmem>>) target_semaphore(%run_scoped3A : memref<!tpu.dma_semaphore, #tpu.memory_space<semaphore_mem>>)
      %dma_wait3A_43 = tpu.memref_slice %arg3[%mul3A_2] : memref<4096xi32, #tpu.memory_space<hbm>> -> memref<128xi32, #tpu.memory_space<hbm>>
      %dma_wait3A_44 = tpu.memref_slice %arg3[%mul3A_2] : memref<4096xi32, #tpu.memory_space<hbm>> -> memref<128xi32, #tpu.memory_space<hbm>>
      tpu.wait_dma2 semaphore(%run_scoped3A : memref<!tpu.dma_semaphore, #tpu.memory_space<semaphore_mem>>) src(%dma_wait3A_44 : memref<128xi32, #tpu.memory_space<hbm>>) dst(%arg5 : memref<128xi32, #tpu.memory_space<vmem>>)
      tpu.yield
    }) : () -> ()
    %dma_start3A = arith.constant 0 : i32
    %dma_start3A_3 = tpu.memref_slice %arg5[%dma_start3A] : memref<128xi32, #tpu.memory_space<vmem>> -> memref<64xi32, #tpu.memory_space<vmem>>
    %dma_start3A_4 = arith.constant 0 : i32
    %dma_start3A_5 = arith.constant 0 : i32
    %dma_start3A_6 = tpu.memref_slice %arg2[%dma_start3A_4, %dma_start3A_5] : memref<6144x768xf32, #tpu.memory_space<hbm>> -> memref<6144x768xf32, #tpu.memory_space<hbm>>
    tpu.enqueue_indirect_dma source(%dma_start3A_6 : memref<6144x768xf32, #tpu.memory_space<hbm>>) target(%arg6 : memref<64x768xf32, #tpu.memory_space<vmem>>) offsets(%dma_start3A_3 : memref<64xi32, #tpu.memory_space<vmem>>) semaphore(%arg8 : memref<!tpu.dma_semaphore, #tpu.memory_space<semaphore_mem>>)
    %dma_wait3A = arith.constant 0 : i32
    %dma_wait3A_7 = tpu.memref_slice %arg5[%dma_wait3A] : memref<128xi32, #tpu.memory_space<vmem>> -> memref<64xi32, #tpu.memory_space<vmem>>
    %dma_wait3A_8 = arith.constant 0 : i32
    %dma_wait3A_9 = arith.constant 0 : i32
    %dma_wait3A_10 = tpu.memref_slice %arg2[%dma_wait3A_8, %dma_wait3A_9] : memref<6144x768xf32, #tpu.memory_space<hbm>> -> memref<6144x768xf32, #tpu.memory_space<hbm>>
    tpu.wait_indirect_dma semaphore(%arg8 : memref<!tpu.dma_semaphore, #tpu.memory_space<semaphore_mem>>) src(%dma_wait3A_10 : memref<6144x768xf32, #tpu.memory_space<hbm>>) dst(%arg6 : memref<64x768xf32, #tpu.memory_space<vmem>>)
    %add3A_11 = arith.constant 0 : i32
    %add3A_12 = arith.addi %mul3A_2, %add3A_11 : i32
    %dma_start3A_13 = arith.constant 0 : i32
    %dma_start3A_14 = tpu.memref_slice %arg4[%add3A_12, %dma_start3A_13] : memref<4096x768xf32, #tpu.memory_space<hbm>> -> memref<64x768xf32, #tpu.memory_space<hbm>>
    %dma_start3A_15 = arith.constant 0 : i32
    %dma_start3A_16 = tpu.memref_slice %arg4[%add3A_12, %dma_start3A_15] : memref<4096x768xf32, #tpu.memory_space<hbm>> -> memref<64x768xf32, #tpu.memory_space<hbm>>
    tpu.enqueue_dma source(%arg6 : memref<64x768xf32, #tpu.memory_space<vmem>>) target(%dma_start3A_16 : memref<64x768xf32, #tpu.memory_space<hbm>>) target_semaphore(%arg9 : memref<!tpu.dma_semaphore, #tpu.memory_space<semaphore_mem>>)
    %dma_start3A_17 = arith.constant 64 : i32
    %dma_start3A_18 = tpu.memref_slice %arg5[%dma_start3A_17] : memref<128xi32, #tpu.memory_space<vmem>> -> memref<64xi32, #tpu.memory_space<vmem>>
    %dma_start3A_19 = arith.constant 0 : i32
    %dma_start3A_20 = arith.constant 0 : i32
    %dma_start3A_21 = tpu.memref_slice %arg2[%dma_start3A_19, %dma_start3A_20] : memref<6144x768xf32, #tpu.memory_space<hbm>> -> memref<6144x768xf32, #tpu.memory_space<hbm>>
    tpu.enqueue_indirect_dma source(%dma_start3A_21 : memref<6144x768xf32, #tpu.memory_space<hbm>>) target(%arg7 : memref<64x768xf32, #tpu.memory_space<vmem>>) offsets(%dma_start3A_18 : memref<64xi32, #tpu.memory_space<vmem>>) semaphore(%arg8 : memref<!tpu.dma_semaphore, #tpu.memory_space<semaphore_mem>>)
    %dma_wait3A_22 = arith.constant 64 : i32
    %dma_wait3A_23 = tpu.memref_slice %arg5[%dma_wait3A_22] : memref<128xi32, #tpu.memory_space<vmem>> -> memref<64xi32, #tpu.memory_space<vmem>>
    %dma_wait3A_24 = arith.constant 0 : i32
    %dma_wait3A_25 = arith.constant 0 : i32
    %dma_wait3A_26 = tpu.memref_slice %arg2[%dma_wait3A_24, %dma_wait3A_25] : memref<6144x768xf32, #tpu.memory_space<hbm>> -> memref<6144x768xf32, #tpu.memory_space<hbm>>
    tpu.wait_indirect_dma semaphore(%arg8 : memref<!tpu.dma_semaphore, #tpu.memory_space<semaphore_mem>>) src(%dma_wait3A_26 : memref<6144x768xf32, #tpu.memory_space<hbm>>) dst(%arg7 : memref<64x768xf32, #tpu.memory_space<vmem>>)
    %add3A_27 = arith.constant 64 : i32
    %add3A_28 = arith.addi %mul3A_2, %add3A_27 : i32
    %dma_start3A_29 = arith.constant 0 : i32
    %dma_start3A_30 = tpu.memref_slice %arg4[%add3A_28, %dma_start3A_29] : memref<4096x768xf32, #tpu.memory_space<hbm>> -> memref<64x768xf32, #tpu.memory_space<hbm>>
    %dma_start3A_31 = arith.constant 0 : i32
    %dma_start3A_32 = tpu.memref_slice %arg4[%add3A_28, %dma_start3A_31] : memref<4096x768xf32, #tpu.memory_space<hbm>> -> memref<64x768xf32, #tpu.memory_space<hbm>>
    tpu.enqueue_dma source(%arg7 : memref<64x768xf32, #tpu.memory_space<vmem>>) target(%dma_start3A_32 : memref<64x768xf32, #tpu.memory_space<hbm>>) target_semaphore(%arg10 : memref<!tpu.dma_semaphore, #tpu.memory_space<semaphore_mem>>)
    %dma_wait3A_33 = arith.constant 0 : i32
    %dma_wait3A_34 = tpu.memref_slice %arg4[%add3A_12, %dma_wait3A_33] : memref<4096x768xf32, #tpu.memory_space<hbm>> -> memref<64x768xf32, #tpu.memory_space<hbm>>
    %dma_wait3A_35 = arith.constant 0 : i32
    %dma_wait3A_36 = tpu.memref_slice %arg4[%add3A_12, %dma_wait3A_35] : memref<4096x768xf32, #tpu.memory_space<hbm>> -> memref<64x768xf32, #tpu.memory_space<hbm>>
    tpu.wait_dma2 semaphore(%arg9 : memref<!tpu.dma_semaphore, #tpu.memory_space<semaphore_mem>>) src(%arg6 : memref<64x768xf32, #tpu.memory_space<vmem>>) dst(%dma_wait3A_36 : memref<64x768xf32, #tpu.memory_space<hbm>>)
    %dma_wait3A_37 = arith.constant 0 : i32
    %dma_wait3A_38 = tpu.memref_slice %arg4[%add3A_28, %dma_wait3A_37] : memref<4096x768xf32, #tpu.memory_space<hbm>> -> memref<64x768xf32, #tpu.memory_space<hbm>>
    %dma_wait3A_39 = arith.constant 0 : i32
    %dma_wait3A_40 = tpu.memref_slice %arg4[%add3A_28, %dma_wait3A_39] : memref<4096x768xf32, #tpu.memory_space<hbm>> -> memref<64x768xf32, #tpu.memory_space<hbm>>
    tpu.wait_dma2 semaphore(%arg10 : memref<!tpu.dma_semaphore, #tpu.memory_space<semaphore_mem>>) src(%arg7 : memref<64x768xf32, #tpu.memory_space<vmem>>) dst(%dma_wait3A_40 : memref<64x768xf32, #tpu.memory_space<hbm>>)
    return
  }
}

#map = affine_map<(d0, d1) -> (0, 0)>
#map1 = affine_map<(d0, d1) -> (0)>
module attributes {stable_mosaic.version = 14 : i64} {
  func.func @route_kernel(%arg0: i32, %arg1: i32, %arg2: memref<4096x768xf32, #tpu.memory_space<hbm>>, %arg3: memref<4096xi32, #tpu.memory_space<hbm>>, %arg4: memref<6144x768xf32, #tpu.memory_space<hbm>>, %arg5: memref<128x768xf32, #tpu.memory_space<vmem>>, %arg6: memref<128xi32, #tpu.memory_space<vmem>>, %arg7: memref<!tpu.dma_semaphore, #tpu.memory_space<semaphore_mem>>, %arg8: memref<!tpu.dma_semaphore, #tpu.memory_space<semaphore_mem>>) attributes {dimension_semantics = [#tpu.dimension_semantics<core_parallel>, #tpu.dimension_semantics<subcore_parallel>], iteration_bounds = array<i64: 2, 16>, scalar_prefetch = 0 : i64, scratch_operands = 4 : i64, tpu.core_type = #tpu.core_type<sc_vector_subcore>, window_params = [{transform_indices = #map}, {transform_indices = #map1}, {transform_indices = #map}]} {
    %mul3A = arith.constant 2 : i32
    %mul3A_0 = arith.muli %arg1, %mul3A : i32
    %add3A = arith.addi %mul3A_0, %arg0 : i32
    %mul3A_1 = arith.constant 128 : i32
    %mul3A_2 = arith.muli %add3A, %mul3A_1 : i32
    %dma_start3A = arith.constant 0 : i32
    %dma_start3A_3 = tpu.memref_slice %arg2[%mul3A_2, %dma_start3A] : memref<4096x768xf32, #tpu.memory_space<hbm>> -> memref<128x768xf32, #tpu.memory_space<hbm>>
    %dma_start3A_4 = arith.constant 0 : i32
    %dma_start3A_5 = tpu.memref_slice %arg2[%mul3A_2, %dma_start3A_4] : memref<4096x768xf32, #tpu.memory_space<hbm>> -> memref<128x768xf32, #tpu.memory_space<hbm>>
    tpu.enqueue_dma source(%dma_start3A_5 : memref<128x768xf32, #tpu.memory_space<hbm>>) target(%arg5 : memref<128x768xf32, #tpu.memory_space<vmem>>) target_semaphore(%arg7 : memref<!tpu.dma_semaphore, #tpu.memory_space<semaphore_mem>>)
    "tpu.region"() ({
      %run_scoped3A = tpu.sem_alloc : memref<!tpu.dma_semaphore, #tpu.memory_space<semaphore_mem>>
      %dma_start3A_15 = tpu.memref_slice %arg3[%mul3A_2] : memref<4096xi32, #tpu.memory_space<hbm>> -> memref<128xi32, #tpu.memory_space<hbm>>
      %dma_start3A_16 = tpu.memref_slice %arg3[%mul3A_2] : memref<4096xi32, #tpu.memory_space<hbm>> -> memref<128xi32, #tpu.memory_space<hbm>>
      tpu.enqueue_dma source(%dma_start3A_16 : memref<128xi32, #tpu.memory_space<hbm>>) target(%arg6 : memref<128xi32, #tpu.memory_space<vmem>>) target_semaphore(%run_scoped3A : memref<!tpu.dma_semaphore, #tpu.memory_space<semaphore_mem>>)
      %dma_wait3A_17 = tpu.memref_slice %arg3[%mul3A_2] : memref<4096xi32, #tpu.memory_space<hbm>> -> memref<128xi32, #tpu.memory_space<hbm>>
      %dma_wait3A_18 = tpu.memref_slice %arg3[%mul3A_2] : memref<4096xi32, #tpu.memory_space<hbm>> -> memref<128xi32, #tpu.memory_space<hbm>>
      tpu.wait_dma2 semaphore(%run_scoped3A : memref<!tpu.dma_semaphore, #tpu.memory_space<semaphore_mem>>) src(%dma_wait3A_18 : memref<128xi32, #tpu.memory_space<hbm>>) dst(%arg6 : memref<128xi32, #tpu.memory_space<vmem>>)
      tpu.yield
    }) : () -> ()
    %dma_wait3A = arith.constant 0 : i32
    %dma_wait3A_6 = tpu.memref_slice %arg2[%mul3A_2, %dma_wait3A] : memref<4096x768xf32, #tpu.memory_space<hbm>> -> memref<128x768xf32, #tpu.memory_space<hbm>>
    %dma_wait3A_7 = arith.constant 0 : i32
    %dma_wait3A_8 = tpu.memref_slice %arg2[%mul3A_2, %dma_wait3A_7] : memref<4096x768xf32, #tpu.memory_space<hbm>> -> memref<128x768xf32, #tpu.memory_space<hbm>>
    tpu.wait_dma2 semaphore(%arg7 : memref<!tpu.dma_semaphore, #tpu.memory_space<semaphore_mem>>) src(%dma_wait3A_8 : memref<128x768xf32, #tpu.memory_space<hbm>>) dst(%arg5 : memref<128x768xf32, #tpu.memory_space<vmem>>)
    %dma_start3A_9 = arith.constant 0 : i32
    %dma_start3A_10 = arith.constant 0 : i32
    %dma_start3A_11 = tpu.memref_slice %arg4[%dma_start3A_9, %dma_start3A_10] : memref<6144x768xf32, #tpu.memory_space<hbm>> -> memref<6144x768xf32, #tpu.memory_space<hbm>>
    tpu.enqueue_indirect_dma source(%arg5 : memref<128x768xf32, #tpu.memory_space<vmem>>) target(%dma_start3A_11 : memref<6144x768xf32, #tpu.memory_space<hbm>>) offsets(%arg6 : memref<128xi32, #tpu.memory_space<vmem>>) semaphore(%arg8 : memref<!tpu.dma_semaphore, #tpu.memory_space<semaphore_mem>>)
    %dma_wait3A_12 = arith.constant 0 : i32
    %dma_wait3A_13 = arith.constant 0 : i32
    %dma_wait3A_14 = tpu.memref_slice %arg4[%dma_wait3A_12, %dma_wait3A_13] : memref<6144x768xf32, #tpu.memory_space<hbm>> -> memref<6144x768xf32, #tpu.memory_space<hbm>>
    tpu.wait_indirect_dma semaphore(%arg8 : memref<!tpu.dma_semaphore, #tpu.memory_space<semaphore_mem>>) src(%arg5 : memref<128x768xf32, #tpu.memory_space<vmem>>) dst(%dma_wait3A_14 : memref<6144x768xf32, #tpu.memory_space<hbm>>)
    return
  }
}

module attributes {stable_mosaic.version = 14 : i64} {
  func.func @_mlp_block_kernel(%arg0: i32, %arg1: memref<24xi32, #tpu.memory_space<smem>>, %arg2: memref<1xi32, #tpu.memory_space<smem>>, %arg3: memref<256x768xf32, #tpu.memory_space<vmem>>, %arg4: memref<1x768x768xf32, #tpu.memory_space<vmem>>, %arg5: memref<1x1x768xf32, #tpu.memory_space<vmem>>, %arg6: memref<1x768x768xf32, #tpu.memory_space<vmem>>, %arg7: memref<1x1x768xf32, #tpu.memory_space<vmem>>, %arg8: memref<256x768xf32, #tpu.memory_space<vmem>>) attributes {dimension_semantics = [#tpu.dimension_semantics<arbitrary>], iteration_bounds = array<i64: 24>, scalar_prefetch = 2 : i64, scratch_operands = 0 : i64, tpu.core_type = #tpu.core_type<tc>, window_params = [{transform_indices = @transform_0, window_bounds = array<i64: 256, 768>}, {transform_indices = @transform_1, window_bounds = array<i64: 1, 768, 768>}, {transform_indices = @transform_2, window_bounds = array<i64: 1, 1, 768>}, {transform_indices = @transform_3, window_bounds = array<i64: 1, 768, 768>}, {transform_indices = @transform_4, window_bounds = array<i64: 1, 1, 768>}, {transform_indices = @transform_5, window_bounds = array<i64: 256, 768>}]} {
    %get3A = arith.constant 0 : index
    %get3A_0 = memref.load %arg2[%get3A] : memref<1xi32, #tpu.memory_space<smem>>
    %lt3A = arith.cmpi slt, %arg0, %get3A_0 : i32
    %convert_element_type3A = arith.extui %lt3A : i1 to i32
    %cond3A = arith.constant 0 : i32
    %cond3A_1 = arith.cmpi ne, %convert_element_type3A, %cond3A : i32
    scf.if %cond3A_1 {
      %get3A_2 = arith.constant 0 : index
      %get3A_3 = arith.constant 0 : index
      %get3A_4 = vector.load %arg3[%get3A_2, %get3A_3] : memref<256x768xf32, #tpu.memory_space<vmem>>, vector<256x768xf32>
      %get3A_5 = arith.constant 0 : index
      %get3A_6 = arith.constant 0 : index
      %get3A_7 = arith.constant 0 : index
      %get3A_8 = vector.load %arg4[%get3A_5, %get3A_6, %get3A_7] : memref<1x768x768xf32, #tpu.memory_space<vmem>>, vector<1x768x768xf32>
      %get3A_9 = vector.shape_cast %get3A_8 : vector<1x768x768xf32> to vector<768x768xf32>
      %dot_general3A = arith.constant dense<0.000000e+00> : vector<256x768xf32>
      %dot_general3A_10 = tpu.matmul %get3A_4, %get3A_9, %dot_general3A {dimension_numbers = #tpu.dot_dimension_numbers<[1], [0], [0], [1], [0, 0, 1, 1], [], []>, transpose_lhs_hint = false} : vector<256x768xf32>, vector<768x768xf32>, vector<256x768xf32> -> vector<256x768xf32>
      %get3A_11 = arith.constant 0 : index
      %get3A_12 = arith.constant 0 : index
      %get3A_13 = arith.constant 0 : index
      %get3A_14 = vector.load %arg5[%get3A_11, %get3A_12, %get3A_13] : memref<1x1x768xf32, #tpu.memory_space<vmem>>, vector<1x1x768xf32>
      %get3A_15 = vector.shape_cast %get3A_14 : vector<1x1x768xf32> to vector<768xf32>
      %broadcast_in_dim3A = vector.shape_cast %get3A_15 : vector<768xf32> to vector<1x768xf32>
      %add3A = vector.broadcast %broadcast_in_dim3A : vector<1x768xf32> to vector<256x768xf32>
      %add3A_16 = arith.addf %dot_general3A_10, %add3A : vector<256x768xf32>
      %max3A = arith.constant 0.000000e+00 : f32
      %max3A_17 = vector.broadcast %max3A : f32 to vector<256x768xf32>
      %max3A_18 = arith.maximumf %add3A_16, %max3A_17 : vector<256x768xf32>
      %get3A_19 = arith.constant 0 : index
      %get3A_20 = arith.constant 0 : index
      %get3A_21 = arith.constant 0 : index
      %get3A_22 = vector.load %arg6[%get3A_19, %get3A_20, %get3A_21] : memref<1x768x768xf32, #tpu.memory_space<vmem>>, vector<1x768x768xf32>
      %get3A_23 = vector.shape_cast %get3A_22 : vector<1x768x768xf32> to vector<768x768xf32>
      %dot_general3A_24 = arith.constant dense<0.000000e+00> : vector<256x768xf32>
      %dot_general3A_25 = tpu.matmul %max3A_18, %get3A_23, %dot_general3A_24 {dimension_numbers = #tpu.dot_dimension_numbers<[1], [0], [0], [1], [0, 0, 1, 1], [], []>, transpose_lhs_hint = false} : vector<256x768xf32>, vector<768x768xf32>, vector<256x768xf32> -> vector<256x768xf32>
      %get3A_26 = arith.constant 0 : index
      %get3A_27 = arith.constant 0 : index
      %get3A_28 = arith.constant 0 : index
      %get3A_29 = vector.load %arg7[%get3A_26, %get3A_27, %get3A_28] : memref<1x1x768xf32, #tpu.memory_space<vmem>>, vector<1x1x768xf32>
      %get3A_30 = vector.shape_cast %get3A_29 : vector<1x1x768xf32> to vector<768xf32>
      %broadcast_in_dim3A_31 = vector.shape_cast %get3A_30 : vector<768xf32> to vector<1x768xf32>
      %add3A_32 = vector.broadcast %broadcast_in_dim3A_31 : vector<1x768xf32> to vector<256x768xf32>
      %add3A_33 = arith.addf %dot_general3A_25, %add3A_32 : vector<256x768xf32>
      %swap3A = arith.constant 0 : index
      %swap3A_34 = arith.constant 0 : index
      %swap3A_35 = vector.load %arg8[%swap3A, %swap3A_34] : memref<256x768xf32, #tpu.memory_space<vmem>>, vector<256x768xf32>
      tpu.vector_store %arg8[%swap3A, %swap3A_34], %add3A_33 {strides = array<i32>} : memref<256x768xf32, #tpu.memory_space<vmem>>, vector<256x768xf32>,
    } else {
    }
    return
  }
  func.func @transform_0(%arg0: i32, %arg1: memref<24xi32, #tpu.memory_space<smem>>, %arg2: memref<1xi32, #tpu.memory_space<smem>>) -> (i32, i32) {
    %get3A = arith.constant 0 : index
    %get3A_0 = memref.load %arg2[%get3A] : memref<1xi32, #tpu.memory_space<smem>>
    %sub3A = arith.constant 1 : i32
    %sub3A_1 = arith.subi %get3A_0, %sub3A : i32
    %min3A = arith.minsi %arg0, %sub3A_1 : i32
    %c0_i32 = arith.constant 0 : i32
    %c0_i32_2 = arith.constant 0 : i32
    return %min3A, %c0_i32 : i32, i32
  }
  func.func @transform_1(%arg0: i32, %arg1: memref<24xi32, #tpu.memory_space<smem>>, %arg2: memref<1xi32, #tpu.memory_space<smem>>) -> (i32, i32, i32) {
    %get3A = arith.constant 0 : index
    %get3A_0 = memref.load %arg2[%get3A] : memref<1xi32, #tpu.memory_space<smem>>
    %sub3A = arith.constant 1 : i32
    %sub3A_1 = arith.subi %get3A_0, %sub3A : i32
    %min3A = arith.minsi %arg0, %sub3A_1 : i32
    %get3A_2 = arith.index_cast %min3A : i32 to index
    %get3A_3 = memref.load %arg1[%get3A_2] : memref<24xi32, #tpu.memory_space<smem>>
    %c0_i32 = arith.constant 0 : i32
    %c0_i32_4 = arith.constant 0 : i32
    %c0_i32_5 = arith.constant 0 : i32
    return %get3A_3, %c0_i32, %c0_i32_4 : i32, i32, i32
  }
  func.func @transform_2(%arg0: i32, %arg1: memref<24xi32, #tpu.memory_space<smem>>, %arg2: memref<1xi32, #tpu.memory_space<smem>>) -> (i32, i32, i32) {
    %get3A = arith.constant 0 : index
    %get3A_0 = memref.load %arg2[%get3A] : memref<1xi32, #tpu.memory_space<smem>>
    %sub3A = arith.constant 1 : i32
    %sub3A_1 = arith.subi %get3A_0, %sub3A : i32
    %min3A = arith.minsi %arg0, %sub3A_1 : i32
    %get3A_2 = arith.index_cast %min3A : i32 to index
    %get3A_3 = memref.load %arg1[%get3A_2] : memref<24xi32, #tpu.memory_space<smem>>
    %c0_i32 = arith.constant 0 : i32
    %c0_i32_4 = arith.constant 0 : i32
    %c0_i32_5 = arith.constant 0 : i32
    return %get3A_3, %c0_i32, %c0_i32_4 : i32, i32, i32
  }
  func.func @transform_3(%arg0: i32, %arg1: memref<24xi32, #tpu.memory_space<smem>>, %arg2: memref<1xi32, #tpu.memory_space<smem>>) -> (i32, i32, i32) {
    %get3A = arith.constant 0 : index
    %get3A_0 = memref.load %arg2[%get3A] : memref<1xi32, #tpu.memory_space<smem>>
    %sub3A = arith.constant 1 : i32
    %sub3A_1 = arith.subi %get3A_0, %sub3A : i32
    %min3A = arith.minsi %arg0, %sub3A_1 : i32
    %get3A_2 = arith.index_cast %min3A : i32 to index
    %get3A_3 = memref.load %arg1[%get3A_2] : memref<24xi32, #tpu.memory_space<smem>>
    %c0_i32 = arith.constant 0 : i32
    %c0_i32_4 = arith.constant 0 : i32
    %c0_i32_5 = arith.constant 0 : i32
    return %get3A_3, %c0_i32, %c0_i32_4 : i32, i32, i32
  }
  func.func @transform_4(%arg0: i32, %arg1: memref<24xi32, #tpu.memory_space<smem>>, %arg2: memref<1xi32, #tpu.memory_space<smem>>) -> (i32, i32, i32) {
    %get3A = arith.constant 0 : index
    %get3A_0 = memref.load %arg2[%get3A] : memref<1xi32, #tpu.memory_space<smem>>
    %sub3A = arith.constant 1 : i32
    %sub3A_1 = arith.subi %get3A_0, %sub3A : i32
    %min3A = arith.minsi %arg0, %sub3A_1 : i32
    %get3A_2 = arith.index_cast %min3A : i32 to index
    %get3A_3 = memref.load %arg1[%get3A_2] : memref<24xi32, #tpu.memory_space<smem>>
    %c0_i32 = arith.constant 0 : i32
    %c0_i32_4 = arith.constant 0 : i32
    %c0_i32_5 = arith.constant 0 : i32
    return %get3A_3, %c0_i32, %c0_i32_4 : i32, i32, i32
  }
  func.func @transform_5(%arg0: i32, %arg1: memref<24xi32, #tpu.memory_space<smem>>, %arg2: memref<1xi32, #tpu.memory_space<smem>>) -> (i32, i32) {
    %get3A = arith.constant 0 : index
    %get3A_0 = memref.load %arg2[%get3A] : memref<1xi32, #tpu.memory_space<smem>>
    %sub3A = arith.constant 1 : i32
    %sub3A_1 = arith.subi %get3A_0, %sub3A : i32
    %min3A = arith.minsi %arg0, %sub3A_1 : i32
    %c0_i32 = arith.constant 0 : i32
    %c0_i32_2 = arith.constant 0 : i32
    return %min3A, %c0_i32 : i32, i32
  }
}

</mosaic_0001>

<sc_bundles>
// kernel: kernel.5.cloned.1.call-start
scs
__scs_entry_jumppad:
0x0: {  	(pc) =	sbr.rel $0x88, $3  }
0x1: {  	(tag) =	ssettag $0x0;
	lr =	simm.s32 $0x1  }
0x2: {  	[smem:$0x3F9B] =	sst lr;
	_ =	strace $0xD0000000  }
0x3: {  	_ = 	snop  }
0x4: {  	_ = 	snop  }
0x5: {  	_ = 	snop  }
0x6: {  	_ = 	snop  }
0x7: {  	_ = 	snop  }
__scs_overlays_trampoline_lowered:
0x8: {  	[smem:$0x3FAA] =	sst s0  }
0x9: {  	[smem:$0x3FAB] =	sst s1  }
0xa: {  	[smem:$0x3FAC] =	sst s2  }
0xb: {  	[smem:$0x3FAD] =	sst s3  }
0xc: {  	[smem:$0x3FAE] =	sst s4  }
0xd: {  	[smem:$0x3FAF] =	sst s5  }
0xe: {  	[smem:$0x3FB0] =	sst s6  }
0xf: {  	[smem:$0x3FB1] =	sst s7  }
0x10: {  	[smem:$0x3FB2] =	sst s8  }
0x11: {  	[smem:$0x3FB3] =	sst s9;
	s0 =	simm.s32 @!p0 $0x0  }
0x12: {  	s1 =	sld [smem:$0x3F99];
	s0 =	simm.s32 @p0 $0x1  }
0x13: {  	[smem:$0x3FB4] =	sst s0;
	s0 =	simm.s32 @!p1 $0x0  }
0x14: {  	s2 =	sld [smem:$0x3F98];
	s0 =	simm.s32 @p1 $0x1  }
0x15: {  	[smem:$0x3FB5] =	sst s0;
	s0 =	simm.s32 @!p2 $0x0  }
0x16: {  	s3 =	sld [smem:$0x3FDB];
	s0 =	simm.s32 @p2 $0x1  }
0x17: {  	s4 =	simm.s32 $0x1BF5;
	[smem:$0x3FB7] =	sst s0  }
0x18: {  	s0 =	sld [smem:$0x3F9A];
	_ =	swait.ge [sflag:s4], $0x0  }
0x19: {  	s7 =	sld [smem:$0x3F9B]  }
0x1a: {  	s8 =	sadd.s32 $0xFFFFE003, lr  }
0x1b: {  	s9 =	sadd.s32 $0xFFFFFEF7, lr;
	s5 =	simm.s32 $0xFFFFFFFF;
	p2 =	slt.u32 s8, $0xFFFFF086  }
0x1c: {  	p1 =	slt.u32 s9, $0xF7A;
	s5 =	simm.s32 @!p2 $0x0  }
0x1d: {  	s5 =	simm.s32 @p1 $0x1;
	p0 =	seq.s32 s7, s2  }
0x1e: {  	s7 =	smul.u32 @!p0 $0xF7A, s2;
	p2 =	seq.s32 @!p0 s5, $0x0  }
0x1f: {  	s9 =	smul.u32 $0xF7A, s1;
	s8 =	simm.s32 @!p0 $0x1BF5;
	p2 =	por !p2, p0  }
0x20: {  	[sflag:s8] =	ssyncset.s32 @!p0 $0xFFFFF086;
	s6 =	sadd.s32 @!p0 s3, s7;
	s7 =	simm.s32 @!p0 $0x108  }
0x21: {  	s3 =	sadd.s32 s3, s9;
	s6 =	sadd.s32 @!p0 $0x88, s6;
	s7 =	simm.s32 @p2 $0x1082  }
0x22: {  	[simem:s7], [sflag:s8] =	dma.local @!p0 [hbm:s6], $0xF7A  }
0x23: {  	s9 =	sor.u32 $0xD0000000, s2;
	s6 =	simm.s32 $0x108;
	_ =	swait.ge @!p0 [sflag:s8], $0x0  }
0x24: {  	s3 =	sadd.s32 $0x88, s3;
	s6 =	simm.s32 @!p1 $0x1082;
	[sflag:s4] =	ssyncset.s32 $0xFFFFF086  }
0x25: {  	[simem:s6], [sflag:s4] =	dma.local [hbm:s3], $0xF7A  }
0x26: {  	[smem:$0x3F9B] =	sst s1;
	(tag) =	ssettag s2;
	_ =	strace s9  }
0x27: {  	s1 =	sld [smem:$0x3FAB]  }
0x28: {  	s2 =	sld [smem:$0x3FAC]  }
0x29: {  	s4 =	sld [smem:$0x3FAE]  }
0x2a: {  	p0 =	seq.s32 s5, $0x0;
	s5 =	sld [smem:$0x3FAF]  }
0x2b: {  	s6 =	sld [smem:$0x3FB0]  }
0x2c: {  	s7 =	sld [smem:$0x3FB1]  }
0x2d: {  	s3 =	simm.s32 $0x108;
	s8 =	sld [smem:$0x3FB2]  }
0x2e: {  	s3 =	simm.s32 @!p0 $0x1082;
	s9 =	sld [smem:$0x3FB3]  }
0x2f: {  	lr =	sadd.s32 s0, s3;
	s0 =	sld [smem:$0x3FAA]  }
0x30: {  	s3 =	sld [smem:$0x3FAD]  }
0x31: {  	[smem:$0x3FB6] =	sst s10  }
0x32: {  	s10 =	sld [smem:$0x3FB4];
	_ =	sdelay $0x3  }
0x33: {  	p0 =	seq.s32 s10, $0x1;
	s10 =	sld [smem:$0x3FB6];
	_ =	sdelay $0x3  }
0x34: {  	[smem:$0x3FB6] =	sst s10  }
0x35: {  	s10 =	sld [smem:$0x3FB5];
	_ =	sdelay $0x3  }
0x36: {  	p1 =	seq.s32 s10, $0x1;
	s10 =	sld [smem:$0x3FB6];
	_ =	sdelay $0x3  }
0x37: {  	[smem:$0x3FB6] =	sst s10  }
0x38: {  	s10 =	sld [smem:$0x3FB7]  }
0x39: {  	_ = 	snop;
	(pc) =	sbr.ind lr, $3  }
0x3a: {  	_ = 	snop  }
0x3b: {  	_ = 	snop  }
0x3c: {  	p2 =	seq.s32 s10, $0x1;
	s10 =	sld [smem:$0x3FB6]  }
0x3d: {  	_ =	shalt  }
0x3e: {  	_ =	shalt  }
0x3f: {  	_ =	shalt  }
0x40: {  	_ =	shalt  }
0x41: {  	_ =	shalt  }
0x42: {  	_ =	shalt  }
0x43: {  	_ =	shalt  }
0x44: {  	_ =	shalt  }
0x45: {  	_ =	shalt  }
0x46: {  	_ =	shalt  }
0x47: {  	_ =	shalt  }
0x48: {  	_ =	shalt  }
0x49: {  	_ =	shalt  }
0x4a: {  	_ =	shalt  }
0x4b: {  	_ =	shalt  }
0x4c: {  	_ =	shalt  }
0x4d: {  	_ =	shalt  }
0x4e: {  	_ =	shalt  }
0x4f: {  	_ =	shalt  }
0x50: {  	_ =	shalt  }
0x51: {  	_ =	shalt  }
0x52: {  	_ =	shalt  }
0x53: {  	_ =	shalt  }
0x54: {  	_ =	shalt  }
0x55: {  	_ =	shalt  }
0x56: {  	_ =	shalt  }
0x57: {  	_ =	shalt  }
0x58: {  	_ =	shalt  }
0x59: {  	_ =	shalt  }
0x5a: {  	_ =	shalt  }
0x5b: {  	_ =	shalt  }
0x5c: {  	_ =	shalt  }
0x5d: {  	_ =	shalt  }
0x5e: {  	_ =	shalt  }
0x5f: {  	_ =	shalt  }
0x60: {  	_ =	shalt  }
0x61: {  	_ =	shalt  }
0x62: {  	_ =	shalt  }
0x63: {  	_ =	shalt  }
0x64: {  	_ =	shalt  }
0x65: {  	_ =	shalt  }
0x66: {  	_ =	shalt  }
0x67: {  	_ =	shalt  }
0x68: {  	_ =	shalt  }
0x69: {  	_ =	shalt  }
0x6a: {  	_ =	shalt  }
0x6b: {  	_ =	shalt  }
0x6c: {  	_ =	shalt  }
0x6d: {  	_ =	shalt  }
0x6e: {  	_ =	shalt  }
0x6f: {  	_ =	shalt  }
0x70: {  	_ =	shalt  }
0x71: {  	_ =	shalt  }
0x72: {  	_ =	shalt  }
0x73: {  	_ =	shalt  }
0x74: {  	_ =	shalt  }
0x75: {  	_ =	shalt  }
0x76: {  	_ =	shalt  }
0x77: {  	_ =	shalt  }
0x78: {  	_ =	shalt  }
0x79: {  	_ =	shalt  }
0x7a: {  	_ =	shalt  }
0x7b: {  	_ =	shalt  }
0x7c: {  	_ =	shalt  }
0x7d: {  	_ =	shalt  }
0x7e: {  	_ =	shalt  }
0x7f: {  	_ =	shalt  }
0x80: {  	_ =	shalt  }
0x81: {  	_ =	shalt  }
0x82: {  	_ =	shalt  }
0x83: {  	_ =	shalt  }
0x84: {  	_ =	shalt  }
0x85: {  	_ =	shalt  }
0x86: {  	_ =	shalt  }
0x87: {  	_ =	shalt  }
.Lfunc_end0:
.L_simem_size_0:
called_computation_lowered:
.L_overlay_start_0:
0x88: {  	s2 =	sld [smem:$0x3FD9]  }
0x89: {  	s3 =	sld [smem:$0x3FFE];
	_ =	sdelay $0x1  }
0x8a: {  	s1 =	srdreg.scid  }
0x8b: {  	s0 =	sand.u32 $0x1, s1  }
0x8c: {  	s17 =	sshll.u32 s0, $0xA;
	s2 =	sadd.s32 s3, s2  }
0x8d: {  	s2 =	sadd.s32 s2, s17  }
0x8e: {  	[smem:$0x3FC2] =	sst s2  }
0x8f: {  	_ = 	snop  }
0x90: {  	s2 =	sld [smem:$0x3FC9];
	(tm) =	ssettm $0x1  }
0x91: {  	s18 =	sld [smem:$0x3FFB];
	_ =	sdelay $0x3  }
0x92: {  	_ =	strace s18  }
0x93: {  	s3 =	sld [smem:$0x3FFC];
	_ =	sdelay $0x3  }
0x94: {  	_ =	strace s3  }
0x95: {  	s3 =	sld [smem:$0x3FFD];
	_ =	sdelay $0x3  }
0x96: {  	_ =	strace s3  }
0x97: {  	_ =	strace $0x8FFFFFFF  }
0x98: {  	s19 =	sld [smem:$0x3FDB];
	_ =	sdelay $0x1  }
0x99: {  	s4 =	simm.s32 $_scs_section_size  }
0x9a: {  	s5 =	simm.s32 $_size__tile_overlayer_lowered;
	s6 =	simm.s32 $_tile_overlayer_lowered  }
0x9b: {  	s22 =	simm.s32 $0x1BFF;
	s21 =	sshll.u32 s6, $0x1;
	s3 =	sadd.s32 s4, s19  }
0x9c: {  	s7 =	simm.s32 $0x0;
	s20 =	sshll.u32 s5, $0x1;
	s5 =	sadd.s32 s21, s3  }
0x9d: {  	[timem:s7], [sflag:s22] =	dma.local [hbm:s5], s20  }
0x9e: {  	_ =	swait.ge [sflag:s22], s20  }
0x9f: {  	s4 =	ssub.s32 $0x0, s20;
	[sflag:s22] =	ssyncset.done $0x0  }
0xa0: {  	[sflag:s22] =	ssyncadd.s32 s4;
	_ =	sdelay $0x1  }
0xa1: {  	s23 =	simm.s32 $0x1B8B  }
0xa2: {  	_ =	swait.ge [sflag:s23], $0x1  }
0xa3: {  	[sflag:s23] =	ssyncset.done $0x0  }
0xa4: {  	s25 =	simm.s32 $0x1B8E;
	s24 =	sld [smem:$0x3FFE];
	[sflag:s23] =	ssyncadd.s32 $0xFFFFFFFF  }
0xa5: {  	s26 =	simm.s32 $execute0_lowered;
	[smem:$0x3FD2] =	sst s25  }
0xa6: {  	s5 =	sshll.u32 s26, $0x1;
	_ =	strace $0x80000046;
	[dreg:$0x1] =	wrdreg $0xFFFFFFFF  }
0xa7: {  	s28 =	simm.s32 $_size_execute0_lowered;
	s3 =	sadd.s32 s3, s5;
	[dreg:$0x0] =	wrdreg $0x0  }
0xa8: {  	s5 =	sshll.u32 s28, $0x1;
	[dreg:$0x2] =	wrdreg s3  }
0xa9: {  	[dreg:$0x3] =	wrdreg s5  }
0xaa: {  	[dreg:$0x4] =	wrdreg $0xC0  }
0xab: {  	_ =	task [dreg:s7], $0x5FFFF  }
0xac: {  	[dreg:$0x1] =	wrdreg $0xFFFFFFFF  }
0xad: {  	[dreg:$0x0] =	wrdreg $0x60  }
0xae: {  	[dreg:$0x2] =	wrdreg s2  }
0xaf: {  	[dreg:$0x3] =	wrdreg s24  }
0xb0: {  	[dreg:$0x4] =	wrdreg $0x9  }
0xb1: {  	_ =	task.clear_ibuf [dreg:s7], $0x5FFFF;
	_ =	strace $0x90000046  }
0xb2: {  	s29 =	simm.s32 $0x9;
	_ =	strace $0x80000048  }
0xb3: {  	_ =	swait.ge [sflag:s29], $0x1  }
0xb4: {  	[sflag:s29] =	ssyncadd.s32 $0xFFFFFFFF  }
0xb5: {  	_ =	strace $0x90000048  }
0xb6: {  	_ =	sfence  }
0xb7: {  	s30 =	sld [smem:$0x0];
	_ =	sdelay $0x2  }
0xb8: {  	s31 =	sshll.u32 s1, $0xD;
	s1 =	sshrl.u32 s1, $0x2  }
0xb9: {  	s3 =	sand.u32 $0x4000, s31;
	s1 =	sadd.s32 s1, s30  }
0xba: {  	s0 =	sor.u32 s3, s0;
	s1 =	sshll.u32 s1, $0x11  }
0xbb: {  	s0 =	sor.u32 s1, s0  }
0xbc: {  	s0 =	sadd.s32 $0x8F2B, s0  }
0xbd: {  	[sflag:s0] =	ssyncadd.remote.s32 $0x1  }
0xbe: {  	_ =	sfence.sel $0xFFFF  }
0xbf: {  	[dreg:$0x0] =	wrdreg $0xFFFFFFFF;
	(pc) =	sbr.abs _section_cstart, $3  }
0xc0: {  	[dreg:$0x1] =	wrdreg $0xFFFFFFFF  }
0xc1: {  	_ =	task.clear_ibuf [dreg:s7], $0x2FFFF;
	_ =	strace $0x9FFFFFFF  }
0xc2: {  	(tm) =	ssettm $0x7FFFFFFF  }
0xc3: {  	_ =	shalt  }
tec
execute0_lowered:
.L_overlay_start_1:
0x0: {  	(tag) =	ssettag $0x1  }
0x1: {  	s1 =	srdreg.scid  }
0x2: {  	s0 =	stileid.u32;
	s1 =	sand.u32 $0x1, s1  }
0x3: {  	s3 =	rddreg [dreg:$0x0];
	s2 =	sshll.u32 s0, $0x5;
	s4 =	sshll.u32 s1, $0x4  }
0x4: {  	s5 =	rddreg [dreg:$0x1];
	s4 =	sor.u32 s4, s2;
	s2 =	simm.s32 $0x0  }
0x5: {  	[smem:$0x7FF] =	sst s2;
	s23 =	sadd.s32 s5, s4  }
0x6: {  	s24 =	simm.s32 $0x18000;
	_ =	strace $0x80000047;
	[dreg:$0x4] =	wrdreg s23  }
0x7: {  	s25 =	simm.s32 $0x800;
	[dreg:$0x5] =	wrdreg s24  }
0x8: {  	s26 =	simm.s32 $0x1000;
	[dreg:$0x6] =	wrdreg s25  }
0x9: {  	s0 =	simm.s32 $0x1800;
	[dreg:$0x7] =	wrdreg s26  }
0xa: {  	s6 =	smul.u32 $0x300, s4;
	s4 =	simm.s32 $0x2000;
	[dreg:$0x8] =	wrdreg s0  }
0xb: {  	s7 =	simm.s32 $0x3000;
	[dreg:$0x9] =	wrdreg s4  }
0xc: {  	s8 =	simm.s32 $0x3800;
	[dreg:$0xb] =	wrdreg s7  }
0xd: {  	s9 =	simm.s32 $0x4000;
	[dreg:$0xc] =	wrdreg s8  }
0xe: {  	s10 =	simm.s32 $0x4800;
	[dreg:$0xd] =	wrdreg s9  }
0xf: {  	s11 =	simm.s32 $0x5000;
	[dreg:$0xe] =	wrdreg s10  }
0x10: {  	s12 =	simm.s32 $0x5800;
	[dreg:$0xf] =	wrdreg s11  }
0x11: {  	s13 =	simm.s32 $0x6000;
	s14 =	simm.s32 $0x6800;
	[dreg:$0x10] =	wrdreg s12  }
0x12: {  	s15 =	simm.s32 $0x7000;
	s16 =	simm.s32 $0x7800;
	[dreg:$0x11] =	wrdreg s13  }
0x13: {  	s17 =	simm.s32 $0x8000;
	s18 =	simm.s32 $0x8800;
	[dreg:$0x12] =	wrdreg s14  }
0x14: {  	s19 =	simm.s32 $0x9000;
	s21 =	simm.s32 $0x9800;
	[dreg:$0x13] =	wrdreg s15  }
0x15: {  	s22 =	simm.s32 $0xA000;
	s28 =	simm.s32 $0x16000;
	[dreg:$0x14] =	wrdreg s16  }
0x16: {  	s29 =	simm.s32 $0x16800;
	s1 =	ssub.s32 $0x2, s1;
	[dreg:$0x15] =	wrdreg s17  }
0x17: {  	s30 =	simm.s32 $0x17000;
	s20 =	sshrl.u32 s1, $0x1;
	[dreg:$0x16] =	wrdreg s18  }
0x18: {  	s31 =	simm.s32 $0x17800;
	s1 =	ssub.s32 s1, s20;
	[dreg:$0x17] =	wrdreg s19  }
0x19: {  	s20 =	simm.s32 $0x12800;
	[dreg:$0x18] =	wrdreg s21;
	s4 =	sadd.s32 $0x300, s5  }
0x1a: {  	[dreg:$0x19] =	wrdreg s22;
	s23 =	simm.s32 $0xA800;
	s7 =	simm.s32 $0xB000  }
0x1b: {  	s24 =	simm.s32 $0xB800;
	s25 =	simm.s32 $0xC000;
	s8 =	simm.s32 $0x1  }
0x1c: {  	s26 =	simm.s32 $0xC800;
	s11 =	simm.s32 $0xE000;
	s12 =	simm.s32 $0xE800  }
0x1d: {  	s13 =	simm.s32 $0xF000;
	s14 =	simm.s32 $0xF800;
	s15 =	simm.s32 $0x10000  }
0x1e: {  	s16 =	simm.s32 $0x10800;
	s17 =	simm.s32 $0x11000;
	[dreg:$0x1a] =	wrdreg s23  }
0x1f: {  	s18 =	simm.s32 $0x11800;
	s19 =	simm.s32 $0x12000;
	[dreg:$0x1b] =	wrdreg s7  }
0x20: {  	s21 =	simm.s32 $0x13000;
	s22 =	simm.s32 $0x13800;
	[dreg:$0x1c] =	wrdreg s24  }
0x21: {  	s3 =	sadd.s32 s3, s6;
	s6 =	simm.s32 $0x2800;
	[dreg:$0x1d] =	wrdreg s25  }
0x22: {  	s7 =	simm.s32 $0x3;
	[dreg:$0x1e] =	wrdreg s26;
	s23 =	simm.s32 $0x14000  }
0x23: {  	v2 =	vlaneseq.u32;
	s24 =	simm.s32 $0x14800;
	s25 =	simm.s32 $0x15000;
	[dreg:$0x3] =	wrdreg s3  }
0x24: {  	vm0 =	vmmov $0xffff;
	v1 =	vshrl.u32 v2, $0x3;
	s26 =	simm.s32 $0x15800;
	[dreg:$0xa] =	wrdreg s6;
	s3 =	sadd.s32 $0x200, s5  }
0x25: {  	v0 =	vand.u32 $0x7, v2;
	v2 =	vor.u32 $0x8, v2;
	v1 =	vmul.u32 $0x8, v1;
	s5 =	sadd.s32 $0x400, s5;
	s6 =	smax.u32 s1, $0x1;
	s1 =	simm.s32 $0x2  }
.LBB2_1:
0x26: {  	s0 =	rddreg [dreg:$0x3]  }
0x27: {  	s9 =	rddreg [dreg:$0x4]  }
0x28: {  	[tilespmem:s2], [sflag:$0x1] =	stream.linear.gather [hbm4b:s0+s2], $0x18000, $0x38;
	[tilespmem:$0x18080] =	vst v63  }
0x29: {  	s10 =	rddreg [dreg:$0x5]  }
0x2a: {  	[tilespmem:s10], [sflag:$0x3] =	stream.linear.gather [hbm4b:s9+s2], $0x80, $0x38;
	[tilespmem:$0x18080] =	vst v63  }
0x2b: {  	_ =	swait.ge [sflag:s7], $0x80  }
0x2c: {  	[sflag:s7] =	ssyncset.done $0x0  }
0x2d: {  	[sflag:s7] =	ssyncadd.s32 $0xFFFFFF80  }
0x2e: {  	_ =	swait.ge [sflag:s8], $0x18000  }
0x2f: {  	[sflag:s8] =	ssyncset.done $0x0  }
0x30: {  	[sflag:s8] =	ssyncadd.s32 $0xFFFE8000  }
0x31: {  	v3 =	vld [tilespmem:$0x18000];
	_ =	sdelay $0x4  }
0x32: {  	v4 =	vshrl.u32 v3, $0x3  }
0x33: {  	v4 =	vmul.u32 $0x30, v4  }
0x34: {  	v3 =	vand.u32 $0x7, v3  }
0x35: {  	v3 =	vor.u32 v3, v4  }
0x36: {  	v4 =	vperm.xlane v3, v0;
	_ =	sdelay $0x1  }
0x37: {  	v4 =	vadd.s32 v1, v4;
	_ =	sdelay $0x3  }
0x38: {  	v3 =	vperm.xlane v3, v2  }
0x39: {  	[hbm4b:s3+s2] =	stream.indirect_vreg.scatter [tilespmem:s2], [sflag:$0x2], $0x80, v4, vm0, $0xb8;
	[tilespmem:$0x18080] =	vst v63  }
0x3a: {  	s10 =	rddreg [dreg:$0x6];
	v3 =	vadd.s32 v1, v3  }
0x3b: {  	[hbm4b:s4+s2] =	stream.indirect_vreg.scatter [tilespmem:s10], [sflag:$0x2], $0x80, v4, vm0, $0xb8;
	[tilespmem:$0x18080] =	vst v63  }
0x3c: {  	s9 =	rddreg [dreg:$0x7]  }
0x3d: {  	[hbm4b:s5+s2] =	stream.indirect_vreg.scatter [tilespmem:s9], [sflag:$0x2], $0x80, v4, vm0, $0xb8;
	[tilespmem:$0x18080] =	vst v63  }
0x3e: {  	s10 =	rddreg [dreg:$0x8]  }
0x3f: {  	[hbm4b:s3+s2] =	stream.indirect_vreg.scatter [tilespmem:s10], [sflag:$0x2], $0x80, v3, vm0, $0xb8;
	[tilespmem:$0x18080] =	vst v63  }
0x40: {  	s9 =	rddreg [dreg:$0x9]  }
0x41: {  	[hbm4b:s4+s2] =	stream.indirect_vreg.scatter [tilespmem:s9], [sflag:$0x2], $0x80, v3, vm0, $0xb8;
	[tilespmem:$0x18080] =	vst v63  }
0x42: {  	s10 =	rddreg [dreg:$0xa]  }
0x43: {  	[hbm4b:s5+s2] =	stream.indirect_vreg.scatter [tilespmem:s10], [sflag:$0x2], $0x80, v3, vm0, $0xb8;
	[tilespmem:$0x18080] =	vst v63  }
0x44: {  	v3 =	vld [tilespmem:$0x18010];
	_ =	sdelay $0x4  }
0x45: {  	v57 =	vshrl.u32 v3, $0x3  }
0x46: {  	v4 =	vmul.u32 $0x30, v57  }
0x47: {  	v3 =	vand.u32 $0x7, v3  }
0x48: {  	v3 =	vor.u32 v3, v4  }
0x49: {  	v4 =	vperm.xlane v3, v0;
	_ =	sdelay $0x1  }
0x4a: {  	v4 =	vadd.s32 v1, v4;
	_ =	sdelay $0x3  }
0x4b: {  	s9 =	rddreg [dreg:$0xb];
	v3 =	vperm.xlane v3, v2  }
0x4c: {  	[hbm4b:s3+s2] =	stream.indirect_vreg.scatter [tilespmem:s9], [sflag:$0x2], $0x80, v4, vm0, $0xb8;
	[tilespmem:$0x18080] =	vst v63  }
0x4d: {  	s10 =	rddreg [dreg:$0xc];
	v3 =	vadd.s32 v1, v3  }
0x4e: {  	[hbm4b:s4+s2] =	stream.indirect_vreg.scatter [tilespmem:s10], [sflag:$0x2], $0x80, v4, vm0, $0xb8;
	[tilespmem:$0x18080] =	vst v63  }
0x4f: {  	s0 =	rddreg [dreg:$0xd]  }
0x50: {  	[hbm4b:s5+s2] =	stream.indirect_vreg.scatter [tilespmem:s0], [sflag:$0x2], $0x80, v4, vm0, $0xb8;
	[tilespmem:$0x18080] =	vst v63  }
0x51: {  	s10 =	rddreg [dreg:$0xe]  }
0x52: {  	[hbm4b:s3+s2] =	stream.indirect_vreg.scatter [tilespmem:s10], [sflag:$0x2], $0x80, v3, vm0, $0xb8;
	[tilespmem:$0x18080] =	vst v63  }
0x53: {  	s0 =	rddreg [dreg:$0xf]  }
0x54: {  	[hbm4b:s4+s2] =	stream.indirect_vreg.scatter [tilespmem:s0], [sflag:$0x2], $0x80, v3, vm0, $0xb8;
	[tilespmem:$0x18080] =	vst v63  }
0x55: {  	s10 =	rddreg [dreg:$0x10]  }
0x56: {  	[hbm4b:s5+s2] =	stream.indirect_vreg.scatter [tilespmem:s10], [sflag:$0x2], $0x80, v3, vm0, $0xb8;
	[tilespmem:$0x18080] =	vst v63  }
0x57: {  	v3 =	vld [tilespmem:$0x18020];
	_ =	sdelay $0x4  }
0x58: {  	v58 =	vshrl.u32 v3, $0x3  }
0x59: {  	v4 =	vmul.u32 $0x30, v58  }
0x5a: {  	v3 =	vand.u32 $0x7, v3  }
0x5b: {  	v3 =	vor.u32 v3, v4  }
0x5c: {  	v4 =	vperm.xlane v3, v0;
	_ =	sdelay $0x1  }
0x5d: {  	v4 =	vadd.s32 v1, v4;
	_ =	sdelay $0x3  }
0x5e: {  	s9 =	rddreg [dreg:$0x11];
	v3 =	vperm.xlane v3, v2  }
0x5f: {  	[hbm4b:s3+s2] =	stream.indirect_vreg.scatter [tilespmem:s9], [sflag:$0x2], $0x80, v4, vm0, $0xb8;
	[tilespmem:$0x18080] =	vst v63  }
0x60: {  	s10 =	rddreg [dreg:$0x12];
	v3 =	vadd.s32 v1, v3  }
0x61: {  	[hbm4b:s4+s2] =	stream.indirect_vreg.scatter [tilespmem:s10], [sflag:$0x2], $0x80, v4, vm0, $0xb8;
	[tilespmem:$0x18080] =	vst v63  }
0x62: {  	s0 =	rddreg [dreg:$0x13]  }
0x63: {  	[hbm4b:s5+s2] =	stream.indirect_vreg.scatter [tilespmem:s0], [sflag:$0x2], $0x80, v4, vm0, $0xb8;
	[tilespmem:$0x18080] =	vst v63  }
0x64: {  	s10 =	rddreg [dreg:$0x14]  }
0x65: {  	[hbm4b:s3+s2] =	stream.indirect_vreg.scatter [tilespmem:s10], [sflag:$0x2], $0x80, v3, vm0, $0xb8;
	[tilespmem:$0x18080] =	vst v63  }
0x66: {  	s0 =	rddreg [dreg:$0x15]  }
0x67: {  	[hbm4b:s4+s2] =	stream.indirect_vreg.scatter [tilespmem:s0], [sflag:$0x2], $0x80, v3, vm0, $0xb8;
	[tilespmem:$0x18080] =	vst v63  }
0x68: {  	s10 =	rddreg [dreg:$0x16]  }
0x69: {  	[hbm4b:s5+s2] =	stream.indirect_vreg.scatter [tilespmem:s10], [sflag:$0x2], $0x80, v3, vm0, $0xb8;
	[tilespmem:$0x18080] =	vst v63  }
0x6a: {  	v3 =	vld [tilespmem:$0x18030];
	_ =	sdelay $0x4  }
0x6b: {  	v59 =	vshrl.u32 v3, $0x3  }
0x6c: {  	v4 =	vmul.u32 $0x30, v59  }
0x6d: {  	v3 =	vand.u32 $0x7, v3  }
0x6e: {  	v3 =	vor.u32 v3, v4  }
0x6f: {  	v4 =	vperm.xlane v3, v0;
	_ =	sdelay $0x1  }
0x70: {  	v4 =	vadd.s32 v1, v4;
	_ =	sdelay $0x3  }
0x71: {  	s9 =	rddreg [dreg:$0x17];
	v3 =	vperm.xlane v3, v2  }
0x72: {  	[hbm4b:s3+s2] =	stream.indirect_vreg.scatter [tilespmem:s9], [sflag:$0x2], $0x80, v4, vm0, $0xb8;
	[tilespmem:$0x18080] =	vst v63  }
0x73: {  	s10 =	rddreg [dreg:$0x18];
	v3 =	vadd.s32 v1, v3  }
0x74: {  	[hbm4b:s4+s2] =	stream.indirect_vreg.scatter [tilespmem:s10], [sflag:$0x2], $0x80, v4, vm0, $0xb8;
	[tilespmem:$0x18080] =	vst v63  }
0x75: {  	s0 =	rddreg [dreg:$0x19]  }
0x76: {  	[hbm4b:s5+s2] =	stream.indirect_vreg.scatter [tilespmem:s0], [sflag:$0x2], $0x80, v4, vm0, $0xb8;
	[tilespmem:$0x18080] =	vst v63  }
0x77: {  	s10 =	rddreg [dreg:$0x1a]  }
0x78: {  	[hbm4b:s3+s2] =	stream.indirect_vreg.scatter [tilespmem:s10], [sflag:$0x2], $0x80, v3, vm0, $0xb8;
	[tilespmem:$0x18080] =	vst v63  }
0x79: {  	s0 =	rddreg [dreg:$0x1b]  }
0x7a: {  	[hbm4b:s4+s2] =	stream.indirect_vreg.scatter [tilespmem:s0], [sflag:$0x2], $0x80, v3, vm0, $0xb8;
	[tilespmem:$0x18080] =	vst v63  }
0x7b: {  	s10 =	rddreg [dreg:$0x1c]  }
0x7c: {  	[hbm4b:s5+s2] =	stream.indirect_vreg.scatter [tilespmem:s10], [sflag:$0x2], $0x80, v3, vm0, $0xb8;
	[tilespmem:$0x18080] =	vst v63  }
0x7d: {  	v3 =	vld [tilespmem:$0x18040];
	_ =	sdelay $0x4  }
0x7e: {  	v60 =	vshrl.u32 v3, $0x3  }
0x7f: {  	v4 =	vmul.u32 $0x30, v60  }
0x80: {  	v3 =	vand.u32 $0x7, v3  }
0x81: {  	v3 =	vor.u32 v3, v4  }
0x82: {  	v4 =	vperm.xlane v3, v0;
	_ =	sdelay $0x1  }
0x83: {  	v4 =	vadd.s32 v1, v4;
	_ =	sdelay $0x3  }
0x84: {  	s9 =	rddreg [dreg:$0x1d];
	v3 =	vperm.xlane v3, v2  }
0x85: {  	[hbm4b:s3+s2] =	stream.indirect_vreg.scatter [tilespmem:s9], [sflag:$0x2], $0x80, v4, vm0, $0xb8;
	[tilespmem:$0x18080] =	vst v63  }
0x86: {  	s10 =	rddreg [dreg:$0x1e];
	v3 =	vadd.s32 v1, v3  }
0x87: {  	[hbm4b:s4+s2] =	stream.indirect_vreg.scatter [tilespmem:s10], [sflag:$0x2], $0x80, v4, vm0, $0xb8;
	[tilespmem:$0x18080] =	vst v63  }
0x88: {  	s9 =	simm.s32 $0xD000  }
0x89: {  	[hbm4b:s5+s2] =	stream.indirect_vreg.scatter [tilespmem:s9], [sflag:$0x2], $0x80, v4, vm0, $0xb8;
	[tilespmem:$0x18080] =	vst v63  }
0x8a: {  	s10 =	simm.s32 $0xD800  }
0x8b: {  	[hbm4b:s3+s2] =	stream.indirect_vreg.scatter [tilespmem:s10], [sflag:$0x2], $0x80, v3, vm0, $0xb8;
	[tilespmem:$0x18080] =	vst v63  }
0x8c: {  	_ = 	snop  }
0x8d: {  	[hbm4b:s4+s2] =	stream.indirect_vreg.scatter [tilespmem:s11], [sflag:$0x2], $0x80, v3, vm0, $0xb8;
	[tilespmem:$0x18080] =	vst v63  }
0x8e: {  	_ = 	snop  }
0x8f: {  	[hbm4b:s5+s2] =	stream.indirect_vreg.scatter [tilespmem:s12], [sflag:$0x2], $0x80, v3, vm0, $0xb8;
	[tilespmem:$0x18080] =	vst v63  }
0x90: {  	v3 =	vld [tilespmem:$0x18050];
	_ =	sdelay $0x4  }
0x91: {  	v61 =	vshrl.u32 v3, $0x3  }
0x92: {  	v4 =	vmul.u32 $0x30, v61  }
0x93: {  	v3 =	vand.u32 $0x7, v3  }
0x94: {  	v3 =	vor.u32 v3, v4  }
0x95: {  	v4 =	vperm.xlane v3, v0;
	_ =	sdelay $0x1  }
0x96: {  	v4 =	vadd.s32 v1, v4;
	_ =	sdelay $0x3  }
0x97: {  	v3 =	vperm.xlane v3, v2  }
0x98: {  	[hbm4b:s3+s2] =	stream.indirect_vreg.scatter [tilespmem:s13], [sflag:$0x2], $0x80, v4, vm0, $0xb8;
	[tilespmem:$0x18080] =	vst v63  }
0x99: {  	v3 =	vadd.s32 v1, v3  }
0x9a: {  	[hbm4b:s4+s2] =	stream.indirect_vreg.scatter [tilespmem:s14], [sflag:$0x2], $0x80, v4, vm0, $0xb8;
	[tilespmem:$0x18080] =	vst v63  }
0x9b: {  	_ = 	snop  }
0x9c: {  	[hbm4b:s5+s2] =	stream.indirect_vreg.scatter [tilespmem:s15], [sflag:$0x2], $0x80, v4, vm0, $0xb8;
	[tilespmem:$0x18080] =	vst v63  }
0x9d: {  	_ = 	snop  }
0x9e: {  	[hbm4b:s3+s2] =	stream.indirect_vreg.scatter [tilespmem:s16], [sflag:$0x2], $0x80, v3, vm0, $0xb8;
	[tilespmem:$0x18080] =	vst v63  }
0x9f: {  	_ = 	snop  }
0xa0: {  	[hbm4b:s4+s2] =	stream.indirect_vreg.scatter [tilespmem:s17], [sflag:$0x2], $0x80, v3, vm0, $0xb8;
	[tilespmem:$0x18080] =	vst v63  }
0xa1: {  	_ = 	snop  }
0xa2: {  	[hbm4b:s5+s2] =	stream.indirect_vreg.scatter [tilespmem:s18], [sflag:$0x2], $0x80, v3, vm0, $0xb8;
	[tilespmem:$0x18080] =	vst v63  }
0xa3: {  	v3 =	vld [tilespmem:$0x18060];
	_ =	sdelay $0x4  }
0xa4: {  	v62 =	vshrl.u32 v3, $0x3  }
0xa5: {  	v4 =	vmul.u32 $0x30, v62  }
0xa6: {  	v3 =	vand.u32 $0x7, v3  }
0xa7: {  	v3 =	vor.u32 v3, v4  }
0xa8: {  	v4 =	vperm.xlane v3, v0;
	_ =	sdelay $0x1  }
0xa9: {  	v4 =	vadd.s32 v1, v4;
	_ =	sdelay $0x3  }
0xaa: {  	v3 =	vperm.xlane v3, v2  }
0xab: {  	[hbm4b:s3+s2] =	stream.indirect_vreg.scatter [tilespmem:s19], [sflag:$0x2], $0x80, v4, vm0, $0xb8;
	[tilespmem:$0x18080] =	vst v63  }
0xac: {  	v3 =	vadd.s32 v1, v3  }
0xad: {  	[hbm4b:s4+s2] =	stream.indirect_vreg.scatter [tilespmem:s20], [sflag:$0x2], $0x80, v4, vm0, $0xb8;
	[tilespmem:$0x18080] =	vst v63  }
0xae: {  	_ = 	snop  }
0xaf: {  	[hbm4b:s5+s2] =	stream.indirect_vreg.scatter [tilespmem:s21], [sflag:$0x2], $0x80, v4, vm0, $0xb8;
	[tilespmem:$0x18080] =	vst v63  }
0xb0: {  	_ = 	snop  }
0xb1: {  	[hbm4b:s3+s2] =	stream.indirect_vreg.scatter [tilespmem:s22], [sflag:$0x2], $0x80, v3, vm0, $0xb8;
	[tilespmem:$0x18080] =	vst v63  }
0xb2: {  	_ = 	snop  }
0xb3: {  	[hbm4b:s4+s2] =	stream.indirect_vreg.scatter [tilespmem:s23], [sflag:$0x2], $0x80, v3, vm0, $0xb8;
	[tilespmem:$0x18080] =	vst v63  }
0xb4: {  	_ = 	snop  }
0xb5: {  	[hbm4b:s5+s2] =	stream.indirect_vreg.scatter [tilespmem:s24], [sflag:$0x2], $0x80, v3, vm0, $0xb8;
	[tilespmem:$0x18080] =	vst v63  }
0xb6: {  	v3 =	vld [tilespmem:$0x18070];
	_ =	sdelay $0x4  }
0xb7: {  	v63 =	vshrl.u32 v3, $0x3  }
0xb8: {  	v4 =	vmul.u32 $0x30, v63  }
0xb9: {  	v3 =	vand.u32 $0x7, v3  }
0xba: {  	v3 =	vor.u32 v3, v4  }
0xbb: {  	v4 =	vperm.xlane v3, v0;
	_ =	sdelay $0x1  }
0xbc: {  	v4 =	vadd.s32 v1, v4;
	_ =	sdelay $0x3  }
0xbd: {  	v3 =	vperm.xlane v3, v2  }
0xbe: {  	[hbm4b:s3+s2] =	stream.indirect_vreg.scatter [tilespmem:s25], [sflag:$0x2], $0x80, v4, vm0, $0xb8;
	[tilespmem:$0x18080] =	vst v63  }
0xbf: {  	v3 =	vadd.s32 v1, v3  }
0xc0: {  	[hbm4b:s4+s2] =	stream.indirect_vreg.scatter [tilespmem:s26], [sflag:$0x2], $0x80, v4, vm0, $0xb8;
	[tilespmem:$0x18080] =	vst v63  }
0xc1: {  	_ = 	snop  }
0xc2: {  	[hbm4b:s5+s2] =	stream.indirect_vreg.scatter [tilespmem:s28], [sflag:$0x2], $0x80, v4, vm0, $0xb8;
	[tilespmem:$0x18080] =	vst v63  }
0xc3: {  	_ = 	snop  }
0xc4: {  	[hbm4b:s3+s2] =	stream.indirect_vreg.scatter [tilespmem:s29], [sflag:$0x2], $0x80, v3, vm0, $0xb8;
	[tilespmem:$0x18080] =	vst v63  }
0xc5: {  	p0 =	sne.s32 s6, $0x1  }
0xc6: {  	[hbm4b:s4+s2] =	stream.indirect_vreg.scatter [tilespmem:s30], [sflag:$0x2], $0x80, v3, vm0, $0xb8;
	[tilespmem:$0x18080] =	vst v63  }
.Ltmp0:
0xc7: {  	_ = 	snop;
	(pc) =	sbr.rel @p0 .LBB2_1-.Ltmp0, $4  }
0xc8: {  	[hbm4b:s5+s2] =	stream.indirect_vreg.scatter [tilespmem:s31], [sflag:$0x2], $0x80, v3, vm0, $0xb8;
	[tilespmem:$0x18080] =	vst v63  }
0xc9: {  	_ =	swait.ge [sflag:s1], $0x18000  }
0xca: {  	[sflag:s1] =	ssyncset.done $0x0  }
0xcb: {  	s6 =	sadd.s32 $0xFFFFFFFF, s6;
	[sflag:s1] =	ssyncadd.s32 $0xFFFE8000  }
0xcc: {  	_ =	sfence.sel $0x180000  }
0xcd: {  	[bflag:$0x0] =	sbarrier.arrive $0xFFFF  }
0xce: {  	_ =	strace $0x90000047  }
0xcf: {  	s0 =	stileid.u32;
	[bflag:$0x2] =	sbarrier.arrive $0xFFFF  }
0xd0: {  	p0 =	sne.s32 s0, $0x0;
	s0 =	rddreg [dreg:$0x2]  }
0xd1: {  	s0 =	sadd.s32 @!p0 $0x100000, s0  }
0xd2: {  	[sflag:s0] =	ssyncadd.tile.s32 @!p0 $0x1;
	_ =	shalt  }
.Lfunc_end2:
_tile_overlayer_lowered:
.L_overlay_start_2:
0xd3: {  	(tag) =	ssettag $0x2  }
0xd4: {  	s0 =	rddreg [dreg:$0x0];
	s2 =	stileid.u32  }
0xd5: {  	s1 =	rddreg [dreg:$0x1];
	p0 =	sne.s32 s2, $0x0  }
0xd6: {  	s3 =	rddreg [dreg:$0x2];
	[bflag:$0x3] =	sbarrier.arrive $0xFFFF;
	s2 =	simm.s32 @!p0 $0x1C03  }
0xd7: {  	[timem:s3], [sflag:s2] =	dma.local @!p0 [hbm:s0], s1  }
0xd8: {  	s0 =	simm.s32 @!p0 $0x3  }
0xd9: {  	_ =	swait.ge @!p0 [sflag:s0], s1  }
0xda: {  	s1 =	ssub.s32 @!p0 $0x0, s1;
	[sflag:s0] =	ssyncset.done @!p0 $0x0  }
0xdb: {  	[sflag:s0] =	ssyncadd.s32 @!p0 s1  }
0xdc: {  	[bflag:$0x3] =	sbarrier.arrive $0xFFFF  }
0xdd: {  	_ =	shalt  }

// kernel: kernel.8.cloned.1.call-start
scs
__scs_entry_jumppad:
0x0: {  	(pc) =	sbr.rel $0x88, $3  }
0x1: {  	(tag) =	ssettag $0x0;
	lr =	simm.s32 $0x1  }
0x2: {  	[smem:$0x3F9B] =	sst lr;
	_ =	strace $0xD0000000  }
0x3: {  	_ = 	snop  }
0x4: {  	_ = 	snop  }
0x5: {  	_ = 	snop  }
0x6: {  	_ = 	snop  }
0x7: {  	_ = 	snop  }
__scs_overlays_trampoline_lowered:
0x8: {  	[smem:$0x3FAA] =	sst s0  }
0x9: {  	[smem:$0x3FAB] =	sst s1  }
0xa: {  	[smem:$0x3FAC] =	sst s2  }
0xb: {  	[smem:$0x3FAD] =	sst s3  }
0xc: {  	[smem:$0x3FAE] =	sst s4  }
0xd: {  	[smem:$0x3FAF] =	sst s5  }
0xe: {  	[smem:$0x3FB0] =	sst s6  }
0xf: {  	[smem:$0x3FB1] =	sst s7  }
0x10: {  	[smem:$0x3FB2] =	sst s8  }
0x11: {  	[smem:$0x3FB3] =	sst s9;
	s0 =	simm.s32 @!p0 $0x0  }
0x12: {  	s1 =	sld [smem:$0x3F99];
	s0 =	simm.s32 @p0 $0x1  }
0x13: {  	[smem:$0x3FB4] =	sst s0;
	s0 =	simm.s32 @!p1 $0x0  }
0x14: {  	s2 =	sld [smem:$0x3F98];
	s0 =	simm.s32 @p1 $0x1  }
0x15: {  	[smem:$0x3FB5] =	sst s0;
	s0 =	simm.s32 @!p2 $0x0  }
0x16: {  	s3 =	sld [smem:$0x3FDB];
	s0 =	simm.s32 @p2 $0x1  }
0x17: {  	s4 =	simm.s32 $0x1BF5;
	[smem:$0x3FB7] =	sst s0  }
0x18: {  	s0 =	sld [smem:$0x3F9A];
	_ =	swait.ge [sflag:s4], $0x0  }
0x19: {  	s7 =	sld [smem:$0x3F9B]  }
0x1a: {  	s8 =	sadd.s32 $0xFFFFE003, lr  }
0x1b: {  	s9 =	sadd.s32 $0xFFFFFEF7, lr;
	s5 =	simm.s32 $0xFFFFFFFF;
	p2 =	slt.u32 s8, $0xFFFFF086  }
0x1c: {  	p1 =	slt.u32 s9, $0xF7A;
	s5 =	simm.s32 @!p2 $0x0  }
0x1d: {  	s5 =	simm.s32 @p1 $0x1;
	p0 =	seq.s32 s7, s2  }
0x1e: {  	s7 =	smul.u32 @!p0 $0xF7A, s2;
	p2 =	seq.s32 @!p0 s5, $0x0  }
0x1f: {  	s9 =	smul.u32 $0xF7A, s1;
	s8 =	simm.s32 @!p0 $0x1BF5;
	p2 =	por !p2, p0  }
0x20: {  	[sflag:s8] =	ssyncset.s32 @!p0 $0xFFFFF086;
	s6 =	sadd.s32 @!p0 s3, s7;
	s7 =	simm.s32 @!p0 $0x108  }
0x21: {  	s3 =	sadd.s32 s3, s9;
	s6 =	sadd.s32 @!p0 $0x88, s6;
	s7 =	simm.s32 @p2 $0x1082  }
0x22: {  	[simem:s7], [sflag:s8] =	dma.local @!p0 [hbm:s6], $0xF7A  }
0x23: {  	s9 =	sor.u32 $0xD0000000, s2;
	s6 =	simm.s32 $0x108;
	_ =	swait.ge @!p0 [sflag:s8], $0x0  }
0x24: {  	s3 =	sadd.s32 $0x88, s3;
	s6 =	simm.s32 @!p1 $0x1082;
	[sflag:s4] =	ssyncset.s32 $0xFFFFF086  }
0x25: {  	[simem:s6], [sflag:s4] =	dma.local [hbm:s3], $0xF7A  }
0x26: {  	[smem:$0x3F9B] =	sst s1;
	(tag) =	ssettag s2;
	_ =	strace s9  }
0x27: {  	s1 =	sld [smem:$0x3FAB]  }
0x28: {  	s2 =	sld [smem:$0x3FAC]  }
0x29: {  	s4 =	sld [smem:$0x3FAE]  }
0x2a: {  	p0 =	seq.s32 s5, $0x0;
	s5 =	sld [smem:$0x3FAF]  }
0x2b: {  	s6 =	sld [smem:$0x3FB0]  }
0x2c: {  	s7 =	sld [smem:$0x3FB1]  }
0x2d: {  	s3 =	simm.s32 $0x108;
	s8 =	sld [smem:$0x3FB2]  }
0x2e: {  	s3 =	simm.s32 @!p0 $0x1082;
	s9 =	sld [smem:$0x3FB3]  }
0x2f: {  	lr =	sadd.s32 s0, s3;
	s0 =	sld [smem:$0x3FAA]  }
0x30: {  	s3 =	sld [smem:$0x3FAD]  }
0x31: {  	[smem:$0x3FB6] =	sst s10  }
0x32: {  	s10 =	sld [smem:$0x3FB4];
	_ =	sdelay $0x3  }
0x33: {  	p0 =	seq.s32 s10, $0x1;
	s10 =	sld [smem:$0x3FB6];
	_ =	sdelay $0x3  }
0x34: {  	[smem:$0x3FB6] =	sst s10  }
0x35: {  	s10 =	sld [smem:$0x3FB5];
	_ =	sdelay $0x3  }
0x36: {  	p1 =	seq.s32 s10, $0x1;
	s10 =	sld [smem:$0x3FB6];
	_ =	sdelay $0x3  }
0x37: {  	[smem:$0x3FB6] =	sst s10  }
0x38: {  	s10 =	sld [smem:$0x3FB7]  }
0x39: {  	_ = 	snop;
	(pc) =	sbr.ind lr, $3  }
0x3a: {  	_ = 	snop  }
0x3b: {  	_ = 	snop  }
0x3c: {  	p2 =	seq.s32 s10, $0x1;
	s10 =	sld [smem:$0x3FB6]  }
0x3d: {  	_ =	shalt  }
0x3e: {  	_ =	shalt  }
0x3f: {  	_ =	shalt  }
0x40: {  	_ =	shalt  }
0x41: {  	_ =	shalt  }
0x42: {  	_ =	shalt  }
0x43: {  	_ =	shalt  }
0x44: {  	_ =	shalt  }
0x45: {  	_ =	shalt  }
0x46: {  	_ =	shalt  }
0x47: {  	_ =	shalt  }
0x48: {  	_ =	shalt  }
0x49: {  	_ =	shalt  }
0x4a: {  	_ =	shalt  }
0x4b: {  	_ =	shalt  }
0x4c: {  	_ =	shalt  }
0x4d: {  	_ =	shalt  }
0x4e: {  	_ =	shalt  }
0x4f: {  	_ =	shalt  }
0x50: {  	_ =	shalt  }
0x51: {  	_ =	shalt  }
0x52: {  	_ =	shalt  }
0x53: {  	_ =	shalt  }
0x54: {  	_ =	shalt  }
0x55: {  	_ =	shalt  }
0x56: {  	_ =	shalt  }
0x57: {  	_ =	shalt  }
0x58: {  	_ =	shalt  }
0x59: {  	_ =	shalt  }
0x5a: {  	_ =	shalt  }
0x5b: {  	_ =	shalt  }
0x5c: {  	_ =	shalt  }
0x5d: {  	_ =	shalt  }
0x5e: {  	_ =	shalt  }
0x5f: {  	_ =	shalt  }
0x60: {  	_ =	shalt  }
0x61: {  	_ =	shalt  }
0x62: {  	_ =	shalt  }
0x63: {  	_ =	shalt  }
0x64: {  	_ =	shalt  }
0x65: {  	_ =	shalt  }
0x66: {  	_ =	shalt  }
0x67: {  	_ =	shalt  }
0x68: {  	_ =	shalt  }
0x69: {  	_ =	shalt  }
0x6a: {  	_ =	shalt  }
0x6b: {  	_ =	shalt  }
0x6c: {  	_ =	shalt  }
0x6d: {  	_ =	shalt  }
0x6e: {  	_ =	shalt  }
0x6f: {  	_ =	shalt  }
0x70: {  	_ =	shalt  }
0x71: {  	_ =	shalt  }
0x72: {  	_ =	shalt  }
0x73: {  	_ =	shalt  }
0x74: {  	_ =	shalt  }
0x75: {  	_ =	shalt  }
0x76: {  	_ =	shalt  }
0x77: {  	_ =	shalt  }
0x78: {  	_ =	shalt  }
0x79: {  	_ =	shalt  }
0x7a: {  	_ =	shalt  }
0x7b: {  	_ =	shalt  }
0x7c: {  	_ =	shalt  }
0x7d: {  	_ =	shalt  }
0x7e: {  	_ =	shalt  }
0x7f: {  	_ =	shalt  }
0x80: {  	_ =	shalt  }
0x81: {  	_ =	shalt  }
0x82: {  	_ =	shalt  }
0x83: {  	_ =	shalt  }
0x84: {  	_ =	shalt  }
0x85: {  	_ =	shalt  }
0x86: {  	_ =	shalt  }
0x87: {  	_ =	shalt  }
.Lfunc_end0:
.L_simem_size_0:
called_computation.1_lowered:
.L_overlay_start_0:
0x88: {  	s2 =	sld [smem:$0x3FD9]  }
0x89: {  	s3 =	sld [smem:$0x3FFE];
	_ =	sdelay $0x1  }
0x8a: {  	s1 =	srdreg.scid  }
0x8b: {  	s0 =	sand.u32 $0x1, s1  }
0x8c: {  	s17 =	sshll.u32 s0, $0xA;
	s2 =	sadd.s32 s3, s2  }
0x8d: {  	s2 =	sadd.s32 s2, s17  }
0x8e: {  	[smem:$0x3FC2] =	sst s2  }
0x8f: {  	_ = 	snop  }
0x90: {  	s2 =	sld [smem:$0x3FD0];
	(tm) =	ssettm $0x1  }
0x91: {  	s18 =	sld [smem:$0x3FFB];
	_ =	sdelay $0x3  }
0x92: {  	_ =	strace s18  }
0x93: {  	s3 =	sld [smem:$0x3FFC];
	_ =	sdelay $0x3  }
0x94: {  	_ =	strace s3  }
0x95: {  	s3 =	sld [smem:$0x3FFD];
	_ =	sdelay $0x3  }
0x96: {  	_ =	strace s3  }
0x97: {  	_ =	strace $0x8FFFFFFF  }
0x98: {  	s19 =	sld [smem:$0x3FDB];
	_ =	sdelay $0x1  }
0x99: {  	s4 =	simm.s32 $_scs_section_size  }
0x9a: {  	s5 =	simm.s32 $_size__tile_overlayer_lowered;
	s6 =	simm.s32 $_tile_overlayer_lowered  }
0x9b: {  	s22 =	simm.s32 $0x1BFF;
	s21 =	sshll.u32 s6, $0x1;
	s3 =	sadd.s32 s4, s19  }
0x9c: {  	s7 =	simm.s32 $0x0;
	s20 =	sshll.u32 s5, $0x1;
	s5 =	sadd.s32 s21, s3  }
0x9d: {  	[timem:s7], [sflag:s22] =	dma.local [hbm:s5], s20  }
0x9e: {  	_ =	swait.ge [sflag:s22], s20  }
0x9f: {  	s4 =	ssub.s32 $0x0, s20;
	[sflag:s22] =	ssyncset.done $0x0  }
0xa0: {  	[sflag:s22] =	ssyncadd.s32 s4;
	_ =	sdelay $0x1  }
0xa1: {  	s23 =	simm.s32 $0x1B8B  }
0xa2: {  	_ =	swait.ge [sflag:s23], $0x1  }
0xa3: {  	[sflag:s23] =	ssyncset.done $0x0  }
0xa4: {  	s25 =	simm.s32 $0x1B8E;
	s24 =	sld [smem:$0x3FFE];
	[sflag:s23] =	ssyncadd.s32 $0xFFFFFFFF  }
0xa5: {  	s26 =	simm.s32 $execute0_lowered;
	[smem:$0x3FD2] =	sst s25  }
0xa6: {  	s5 =	sshll.u32 s26, $0x1;
	_ =	strace $0x80000049;
	[dreg:$0x1] =	wrdreg $0xFFFFFFFF  }
0xa7: {  	s28 =	simm.s32 $_size_execute0_lowered;
	s3 =	sadd.s32 s3, s5;
	[dreg:$0x0] =	wrdreg $0x0  }
0xa8: {  	s5 =	sshll.u32 s28, $0x1;
	[dreg:$0x2] =	wrdreg s3  }
0xa9: {  	[dreg:$0x3] =	wrdreg s5  }
0xaa: {  	[dreg:$0x4] =	wrdreg $0xC0  }
0xab: {  	_ =	task [dreg:s7], $0x5FFFF  }
0xac: {  	[dreg:$0x1] =	wrdreg $0xFFFFFFFF  }
0xad: {  	[dreg:$0x0] =	wrdreg $0x60  }
0xae: {  	[dreg:$0x2] =	wrdreg s24  }
0xaf: {  	[dreg:$0x3] =	wrdreg s2  }
0xb0: {  	[dreg:$0x4] =	wrdreg $0x9  }
0xb1: {  	_ =	task.clear_ibuf [dreg:s7], $0x5FFFF;
	_ =	strace $0x90000049  }
0xb2: {  	s29 =	simm.s32 $0x9;
	_ =	strace $0x8000004B  }
0xb3: {  	_ =	swait.ge [sflag:s29], $0x1  }
0xb4: {  	[sflag:s29] =	ssyncadd.s32 $0xFFFFFFFF  }
0xb5: {  	_ =	strace $0x9000004B  }
0xb6: {  	_ =	sfence  }
0xb7: {  	s30 =	sld [smem:$0x0];
	_ =	sdelay $0x2  }
0xb8: {  	s31 =	sshll.u32 s1, $0xD;
	s1 =	sshrl.u32 s1, $0x2  }
0xb9: {  	s3 =	sand.u32 $0x4000, s31;
	s1 =	sadd.s32 s1, s30  }
0xba: {  	s0 =	sor.u32 s3, s0;
	s1 =	sshll.u32 s1, $0x11  }
0xbb: {  	s0 =	sor.u32 s1, s0  }
0xbc: {  	s0 =	sadd.s32 $0x8F2B, s0  }
0xbd: {  	[sflag:s0] =	ssyncadd.remote.s32 $0x1  }
0xbe: {  	_ =	sfence.sel $0xFFFF  }
0xbf: {  	[dreg:$0x0] =	wrdreg $0xFFFFFFFF;
	(pc) =	sbr.abs _section_cstart, $3  }
0xc0: {  	[dreg:$0x1] =	wrdreg $0xFFFFFFFF  }
0xc1: {  	_ =	task.clear_ibuf [dreg:s7], $0x2FFFF;
	_ =	strace $0x9FFFFFFF  }
0xc2: {  	(tm) =	ssettm $0x7FFFFFFF  }
0xc3: {  	_ =	shalt  }
tec
execute0_lowered:
.L_overlay_start_1:
0x0: {  	(tag) =	ssettag $0x1  }
0x1: {  	s1 =	srdreg.scid  }
0x2: {  	s0 =	stileid.u32;
	s4 =	sand.u32 $0x1, s1  }
0x3: {  	s2 =	sshll.u32 s0, $0x5;
	s3 =	sshll.u32 s4, $0x4  }
0x4: {  	s5 =	rddreg [dreg:$0x1];
	s3 =	sor.u32 s3, s2  }
0x5: {  	s1 =	rddreg [dreg:$0x0];
	s2 =	simm.s32 $0x0;
	s6 =	smul.u32 $0x1800, s3  }
0x6: {  	[smem:$0x7FF] =	sst s2;
	s7 =	smul.u32 $0x300, s3;
	s3 =	sadd.s32 s1, s3  }
0x7: {  	s22 =	simm.s32 $0x880;
	_ =	strace $0x8000004A;
	[dreg:$0x3] =	wrdreg s3  }
0x8: {  	s23 =	simm.s32 $0x1080;
	[dreg:$0x6] =	wrdreg s22  }
0x9: {  	s24 =	simm.s32 $0x1880;
	[dreg:$0x7] =	wrdreg s23  }
0xa: {  	s25 =	simm.s32 $0x2080;
	[dreg:$0x8] =	wrdreg s24  }
0xb: {  	s26 =	simm.s32 $0x2880;
	[dreg:$0x9] =	wrdreg s25  }
0xc: {  	s0 =	simm.s32 $0x3080;
	[dreg:$0xa] =	wrdreg s26  }
0xd: {  	s8 =	simm.s32 $0x5080;
	[dreg:$0xb] =	wrdreg s0  }
0xe: {  	s9 =	simm.s32 $0x5880;
	[dreg:$0xf] =	wrdreg s8  }
0xf: {  	s10 =	simm.s32 $0x6080;
	[dreg:$0x10] =	wrdreg s9  }
0x10: {  	s11 =	simm.s32 $0x6880;
	[dreg:$0x11] =	wrdreg s10  }
0x11: {  	s12 =	simm.s32 $0x7080;
	s13 =	simm.s32 $0x7880;
	[dreg:$0x12] =	wrdreg s11  }
0x12: {  	s14 =	simm.s32 $0x8080;
	s15 =	simm.s32 $0x8880;
	[dreg:$0x13] =	wrdreg s12  }
0x13: {  	s16 =	simm.s32 $0x9080;
	s17 =	simm.s32 $0x9880;
	[dreg:$0x14] =	wrdreg s13  }
0x14: {  	s18 =	simm.s32 $0xA080;
	s28 =	simm.s32 $0x16880;
	[dreg:$0x15] =	wrdreg s14  }
0x15: {  	s29 =	simm.s32 $0x17080;
	s30 =	simm.s32 $0x17880;
	[dreg:$0x16] =	wrdreg s15  }
0x16: {  	s31 =	simm.s32 $0x2;
	s4 =	ssub.s32 $0x2, s4;
	[dreg:$0x17] =	wrdreg s16  }
0x17: {  	s19 =	sshrl.u32 s4, $0x1;
	s3 =	sadd.s32 $0x200, s1;
	[dreg:$0x18] =	wrdreg s17  }
0x18: {  	[dreg:$0x19] =	wrdreg s18;
	s22 =	simm.s32 $0xB880;
	s23 =	simm.s32 $0xC880  }
0x19: {  	s24 =	simm.s32 $0xD080;
	s25 =	simm.s32 $0xD880;
	s8 =	simm.s32 $0x80  }
0x1a: {  	s26 =	simm.s32 $0xE080;
	s9 =	simm.s32 $0x1;
	s10 =	simm.s32 $0xC080  }
0x1b: {  	s12 =	simm.s32 $0xF080;
	s13 =	simm.s32 $0xF880;
	[dreg:$0x1c] =	wrdreg s22  }
0x1c: {  	s14 =	simm.s32 $0x10080;
	s15 =	simm.s32 $0x10880;
	[dreg:$0x1d] =	wrdreg s23  }
0x1d: {  	s16 =	simm.s32 $0x11080;
	s17 =	simm.s32 $0x11880;
	[dreg:$0x1e] =	wrdreg s24  }
0x1e: {  	s18 =	simm.s32 $0x12080;
	s6 =	sshrl.u32 s6, $0x3;
	[dreg:$0x1f] =	wrdreg s25  }
0x1f: {  	s20 =	sadd.s32 s5, s7;
	s7 =	simm.s32 $0x4880;
	[smem:$0x7FD] =	sst s26  }
0x20: {  	s22 =	simm.s32 $0x14080;
	s23 =	simm.s32 $0x14880;
	s24 =	simm.s32 $0x15080  }
0x21: {  	s25 =	simm.s32 $0x15880;
	s26 =	simm.s32 $0x16080;
	[dreg:$0x4] =	wrdreg s20  }
0x22: {  	s5 =	sadd.s32 s5, s6;
	s6 =	simm.s32 $0x4080;
	[dreg:$0xe] =	wrdreg s7  }
0x23: {  	s20 =	simm.s32 $0xA880;
	s7 =	simm.s32 $0x4;
	[dreg:$0xd] =	wrdreg s6  }
0x24: {  	s21 =	sadd.s32 $0x1800, s5;
	s5 =	simm.s32 $0x3880;
	[dreg:$0x1a] =	wrdreg s20  }
0x25: {  	s6 =	ssub.s32 s4, s19;
	s4 =	sadd.s32 $0x300, s1;
	[dreg:$0x5] =	wrdreg s21  }
0x26: {  	v2 =	vlaneseq.u32;
	s19 =	simm.s32 $0x12880;
	s20 =	simm.s32 $0x13080;
	[dreg:$0xc] =	wrdreg s5  }
0x27: {  	vm0 =	vmmov $0xffff;
	v1 =	vshrl.u32 v2, $0x3;
	s21 =	simm.s32 $0xB080;
	s5 =	sadd.s32 $0x400, s1;
	s6 =	smax.u32 s6, $0x1  }
0x28: {  	v0 =	vand.u32 $0x7, v2;
	v2 =	vor.u32 $0x8, v2;
	v1 =	vmul.u32 $0x8, v1;
	s1 =	simm.s32 $0x3;
	[dreg:$0x1b] =	wrdreg s21;
	s21 =	simm.s32 $0x13880  }
.LBB2_1:
0x29: {  	s0 =	rddreg [dreg:$0x3]  }
0x2a: {  	[tilespmem:s2], [sflag:$0x4] =	stream.linear.gather [hbm4b:s0+s2], $0x80, $0x38;
	[tilespmem:$0x18080] =	vst v63  }
0x2b: {  	_ =	swait.ge [sflag:s7], $0x80  }
0x2c: {  	[sflag:s7] =	ssyncset.done $0x0  }
0x2d: {  	[sflag:s7] =	ssyncadd.s32 $0xFFFFFF80  }
0x2e: {  	v3 =	vld [tilespmem:$0x0];
	_ =	sdelay $0x4  }
0x2f: {  	v4 =	vshrl.u32 v3, $0x3  }
0x30: {  	v4 =	vmul.u32 $0x30, v4  }
0x31: {  	v3 =	vand.u32 $0x7, v3  }
0x32: {  	v3 =	vor.u32 v3, v4  }
0x33: {  	v4 =	vperm.xlane v3, v0;
	_ =	sdelay $0x1  }
0x34: {  	v4 =	vadd.s32 v1, v4;
	_ =	sdelay $0x3  }
0x35: {  	v3 =	vperm.xlane v3, v2  }
0x36: {  	[tilespmem:s8], [sflag:$0x1] =	stream.indirect_vreg.gather [hbm4b:s3+s2], $0x80, v4, vm0, $0xb8;
	[tilespmem:$0x18080] =	vst v63  }
0x37: {  	s0 =	rddreg [dreg:$0x6];
	v3 =	vadd.s32 v1, v3  }
0x38: {  	[tilespmem:s0], [sflag:$0x1] =	stream.indirect_vreg.gather [hbm4b:s4+s2], $0x80, v4, vm0, $0xb8;
	[tilespmem:$0x18080] =	vst v63  }
0x39: {  	s11 =	rddreg [dreg:$0x7]  }
0x3a: {  	[tilespmem:s11], [sflag:$0x1] =	stream.indirect_vreg.gather [hbm4b:s5+s2], $0x80, v4, vm0, $0xb8;
	[tilespmem:$0x18080] =	vst v63  }
0x3b: {  	s0 =	rddreg [dreg:$0x8]  }
0x3c: {  	[tilespmem:s0], [sflag:$0x1] =	stream.indirect_vreg.gather [hbm4b:s3+s2], $0x80, v3, vm0, $0xb8;
	[tilespmem:$0x18080] =	vst v63  }
0x3d: {  	s11 =	rddreg [dreg:$0x9]  }
0x3e: {  	[tilespmem:s11], [sflag:$0x1] =	stream.indirect_vreg.gather [hbm4b:s4+s2], $0x80, v3, vm0, $0xb8;
	[tilespmem:$0x18080] =	vst v63  }
0x3f: {  	s0 =	rddreg [dreg:$0xa]  }
0x40: {  	[tilespmem:s0], [sflag:$0x1] =	stream.indirect_vreg.gather [hbm4b:s5+s2], $0x80, v3, vm0, $0xb8;
	[tilespmem:$0x18080] =	vst v63  }
0x41: {  	v3 =	vld [tilespmem:$0x10];
	_ =	sdelay $0x4  }
0x42: {  	v57 =	vshrl.u32 v3, $0x3  }
0x43: {  	v4 =	vmul.u32 $0x30, v57  }
0x44: {  	v3 =	vand.u32 $0x7, v3  }
0x45: {  	v3 =	vor.u32 v3, v4  }
0x46: {  	v4 =	vperm.xlane v3, v0;
	_ =	sdelay $0x1  }
0x47: {  	v4 =	vadd.s32 v1, v4;
	_ =	sdelay $0x3  }
0x48: {  	s0 =	rddreg [dreg:$0xb];
	v3 =	vperm.xlane v3, v2  }
0x49: {  	[tilespmem:s0], [sflag:$0x1] =	stream.indirect_vreg.gather [hbm4b:s3+s2], $0x80, v4, vm0, $0xb8;
	[tilespmem:$0x18080] =	vst v63  }
0x4a: {  	s11 =	rddreg [dreg:$0xc];
	v3 =	vadd.s32 v1, v3  }
0x4b: {  	[tilespmem:s11], [sflag:$0x1] =	stream.indirect_vreg.gather [hbm4b:s4+s2], $0x80, v4, vm0, $0xb8;
	[tilespmem:$0x18080] =	vst v63  }
0x4c: {  	s0 =	rddreg [dreg:$0xd]  }
0x4d: {  	[tilespmem:s0], [sflag:$0x1] =	stream.indirect_vreg.gather [hbm4b:s5+s2], $0x80, v4, vm0, $0xb8;
	[tilespmem:$0x18080] =	vst v63  }
0x4e: {  	s11 =	rddreg [dreg:$0xe]  }
0x4f: {  	[tilespmem:s11], [sflag:$0x1] =	stream.indirect_vreg.gather [hbm4b:s3+s2], $0x80, v3, vm0, $0xb8;
	[tilespmem:$0x18080] =	vst v63  }
0x50: {  	s0 =	rddreg [dreg:$0xf]  }
0x51: {  	[tilespmem:s0], [sflag:$0x1] =	stream.indirect_vreg.gather [hbm4b:s4+s2], $0x80, v3, vm0, $0xb8;
	[tilespmem:$0x18080] =	vst v63  }
0x52: {  	s11 =	rddreg [dreg:$0x10]  }
0x53: {  	[tilespmem:s11], [sflag:$0x1] =	stream.indirect_vreg.gather [hbm4b:s5+s2], $0x80, v3, vm0, $0xb8;
	[tilespmem:$0x18080] =	vst v63  }
0x54: {  	v3 =	vld [tilespmem:$0x20];
	_ =	sdelay $0x4  }
0x55: {  	v58 =	vshrl.u32 v3, $0x3  }
0x56: {  	v4 =	vmul.u32 $0x30, v58  }
0x57: {  	v3 =	vand.u32 $0x7, v3  }
0x58: {  	v3 =	vor.u32 v3, v4  }
0x59: {  	v4 =	vperm.xlane v3, v0;
	_ =	sdelay $0x1  }
0x5a: {  	v4 =	vadd.s32 v1, v4;
	_ =	sdelay $0x3  }
0x5b: {  	s0 =	rddreg [dreg:$0x11];
	v3 =	vperm.xlane v3, v2  }
0x5c: {  	[tilespmem:s0], [sflag:$0x1] =	stream.indirect_vreg.gather [hbm4b:s3+s2], $0x80, v4, vm0, $0xb8;
	[tilespmem:$0x18080] =	vst v63  }
0x5d: {  	s11 =	rddreg [dreg:$0x12];
	v3 =	vadd.s32 v1, v3  }
0x5e: {  	[tilespmem:s11], [sflag:$0x1] =	stream.indirect_vreg.gather [hbm4b:s4+s2], $0x80, v4, vm0, $0xb8;
	[tilespmem:$0x18080] =	vst v63  }
0x5f: {  	s0 =	rddreg [dreg:$0x13]  }
0x60: {  	[tilespmem:s0], [sflag:$0x1] =	stream.indirect_vreg.gather [hbm4b:s5+s2], $0x80, v4, vm0, $0xb8;
	[tilespmem:$0x18080] =	vst v63  }
0x61: {  	s11 =	rddreg [dreg:$0x14]  }
0x62: {  	[tilespmem:s11], [sflag:$0x1] =	stream.indirect_vreg.gather [hbm4b:s3+s2], $0x80, v3, vm0, $0xb8;
	[tilespmem:$0x18080] =	vst v63  }
0x63: {  	s0 =	rddreg [dreg:$0x15]  }
0x64: {  	[tilespmem:s0], [sflag:$0x1] =	stream.indirect_vreg.gather [hbm4b:s4+s2], $0x80, v3, vm0, $0xb8;
	[tilespmem:$0x18080] =	vst v63  }
0x65: {  	s11 =	rddreg [dreg:$0x16]  }
0x66: {  	[tilespmem:s11], [sflag:$0x1] =	stream.indirect_vreg.gather [hbm4b:s5+s2], $0x80, v3, vm0, $0xb8;
	[tilespmem:$0x18080] =	vst v63  }
0x67: {  	v3 =	vld [tilespmem:$0x30];
	_ =	sdelay $0x4  }
0x68: {  	v59 =	vshrl.u32 v3, $0x3  }
0x69: {  	v4 =	vmul.u32 $0x30, v59  }
0x6a: {  	v3 =	vand.u32 $0x7, v3  }
0x6b: {  	v3 =	vor.u32 v3, v4  }
0x6c: {  	v4 =	vperm.xlane v3, v0;
	_ =	sdelay $0x1  }
0x6d: {  	v4 =	vadd.s32 v1, v4;
	_ =	sdelay $0x3  }
0x6e: {  	s0 =	rddreg [dreg:$0x17];
	v3 =	vperm.xlane v3, v2  }
0x6f: {  	[tilespmem:s0], [sflag:$0x1] =	stream.indirect_vreg.gather [hbm4b:s3+s2], $0x80, v4, vm0, $0xb8;
	[tilespmem:$0x18080] =	vst v63  }
0x70: {  	s11 =	rddreg [dreg:$0x18];
	v3 =	vadd.s32 v1, v3  }
0x71: {  	[tilespmem:s11], [sflag:$0x1] =	stream.indirect_vreg.gather [hbm4b:s4+s2], $0x80, v4, vm0, $0xb8;
	[tilespmem:$0x18080] =	vst v63  }
0x72: {  	s0 =	rddreg [dreg:$0x19]  }
0x73: {  	[tilespmem:s0], [sflag:$0x1] =	stream.indirect_vreg.gather [hbm4b:s5+s2], $0x80, v4, vm0, $0xb8;
	[tilespmem:$0x18080] =	vst v63  }
0x74: {  	s11 =	rddreg [dreg:$0x1a]  }
0x75: {  	[tilespmem:s11], [sflag:$0x1] =	stream.indirect_vreg.gather [hbm4b:s3+s2], $0x80, v3, vm0, $0xb8;
	[tilespmem:$0x18080] =	vst v63  }
0x76: {  	s0 =	rddreg [dreg:$0x1b]  }
0x77: {  	[tilespmem:s0], [sflag:$0x1] =	stream.indirect_vreg.gather [hbm4b:s4+s2], $0x80, v3, vm0, $0xb8;
	[tilespmem:$0x18080] =	vst v63  }
0x78: {  	s11 =	rddreg [dreg:$0x1c]  }
0x79: {  	[tilespmem:s11], [sflag:$0x1] =	stream.indirect_vreg.gather [hbm4b:s5+s2], $0x80, v3, vm0, $0xb8;
	[tilespmem:$0x18080] =	vst v63  }
0x7a: {  	_ =	swait.ge [sflag:s9], $0xC000  }
0x7b: {  	[sflag:s9] =	ssyncset.done $0x0  }
0x7c: {  	s11 =	rddreg [dreg:$0x4];
	[sflag:s9] =	ssyncadd.s32 $0xFFFF4000  }
0x7d: {  	[hbm4b:s11+s2] =	stream.linear.scatter [tilespmem:s8], [sflag:$0x2], $0xC000, $0x38;
	[tilespmem:$0x18080] =	vst v63  }
0x7e: {  	v3 =	vld [tilespmem:$0x40];
	_ =	sdelay $0x4  }
0x7f: {  	v60 =	vshrl.u32 v3, $0x3  }
0x80: {  	v4 =	vmul.u32 $0x30, v60  }
0x81: {  	v3 =	vand.u32 $0x7, v3  }
0x82: {  	v3 =	vor.u32 v3, v4  }
0x83: {  	v4 =	vperm.xlane v3, v0;
	_ =	sdelay $0x1  }
0x84: {  	v4 =	vadd.s32 v1, v4;
	_ =	sdelay $0x3  }
0x85: {  	s0 =	rddreg [dreg:$0x1d];
	v3 =	vperm.xlane v3, v2  }
0x86: {  	[tilespmem:s10], [sflag:$0x1] =	stream.indirect_vreg.gather [hbm4b:s3+s2], $0x80, v4, vm0, $0xb8;
	[tilespmem:$0x18080] =	vst v63  }
0x87: {  	s11 =	rddreg [dreg:$0x1e];
	v3 =	vadd.s32 v1, v3  }
0x88: {  	[tilespmem:s0], [sflag:$0x1] =	stream.indirect_vreg.gather [hbm4b:s4+s2], $0x80, v4, vm0, $0xb8;
	[tilespmem:$0x18080] =	vst v63  }
0x89: {  	s0 =	rddreg [dreg:$0x1f]  }
0x8a: {  	[tilespmem:s11], [sflag:$0x1] =	stream.indirect_vreg.gather [hbm4b:s5+s2], $0x80, v4, vm0, $0xb8;
	[tilespmem:$0x18080] =	vst v63  }
0x8b: {  	s11 =	sld [smem:$0x7FD]  }
0x8c: {  	[tilespmem:s0], [sflag:$0x1] =	stream.indirect_vreg.gather [hbm4b:s3+s2], $0x80, v3, vm0, $0xb8;
	[tilespmem:$0x18080] =	vst v63  }
0x8d: {  	_ = 	snop  }
0x8e: {  	[tilespmem:s11], [sflag:$0x1] =	stream.indirect_vreg.gather [hbm4b:s4+s2], $0x80, v3, vm0, $0xb8;
	[tilespmem:$0x18080] =	vst v63  }
0x8f: {  	s11 =	simm.s32 $0xE880  }
0x90: {  	[tilespmem:s11], [sflag:$0x1] =	stream.indirect_vreg.gather [hbm4b:s5+s2], $0x80, v3, vm0, $0xb8;
	[tilespmem:$0x18080] =	vst v63  }
0x91: {  	v3 =	vld [tilespmem:$0x50];
	_ =	sdelay $0x4  }
0x92: {  	v61 =	vshrl.u32 v3, $0x3  }
0x93: {  	v4 =	vmul.u32 $0x30, v61  }
0x94: {  	v3 =	vand.u32 $0x7, v3  }
0x95: {  	v3 =	vor.u32 v3, v4  }
0x96: {  	v4 =	vperm.xlane v3, v0;
	_ =	sdelay $0x1  }
0x97: {  	v4 =	vadd.s32 v1, v4;
	_ =	sdelay $0x3  }
0x98: {  	v3 =	vperm.xlane v3, v2  }
0x99: {  	[tilespmem:s12], [sflag:$0x1] =	stream.indirect_vreg.gather [hbm4b:s3+s2], $0x80, v4, vm0, $0xb8;
	[tilespmem:$0x18080] =	vst v63  }
0x9a: {  	v3 =	vadd.s32 v1, v3  }
0x9b: {  	[tilespmem:s13], [sflag:$0x1] =	stream.indirect_vreg.gather [hbm4b:s4+s2], $0x80, v4, vm0, $0xb8;
	[tilespmem:$0x18080] =	vst v63  }
0x9c: {  	_ = 	snop  }
0x9d: {  	[tilespmem:s14], [sflag:$0x1] =	stream.indirect_vreg.gather [hbm4b:s5+s2], $0x80, v4, vm0, $0xb8;
	[tilespmem:$0x18080] =	vst v63  }
0x9e: {  	_ = 	snop  }
0x9f: {  	[tilespmem:s15], [sflag:$0x1] =	stream.indirect_vreg.gather [hbm4b:s3+s2], $0x80, v3, vm0, $0xb8;
	[tilespmem:$0x18080] =	vst v63  }
0xa0: {  	_ = 	snop  }
0xa1: {  	[tilespmem:s16], [sflag:$0x1] =	stream.indirect_vreg.gather [hbm4b:s4+s2], $0x80, v3, vm0, $0xb8;
	[tilespmem:$0x18080] =	vst v63  }
0xa2: {  	_ = 	snop  }
0xa3: {  	[tilespmem:s17], [sflag:$0x1] =	stream.indirect_vreg.gather [hbm4b:s5+s2], $0x80, v3, vm0, $0xb8;
	[tilespmem:$0x18080] =	vst v63  }
0xa4: {  	v3 =	vld [tilespmem:$0x60];
	_ =	sdelay $0x4  }
0xa5: {  	v62 =	vshrl.u32 v3, $0x3  }
0xa6: {  	v4 =	vmul.u32 $0x30, v62  }
0xa7: {  	v3 =	vand.u32 $0x7, v3  }
0xa8: {  	v3 =	vor.u32 v3, v4  }
0xa9: {  	v4 =	vperm.xlane v3, v0;
	_ =	sdelay $0x1  }
0xaa: {  	v4 =	vadd.s32 v1, v4;
	_ =	sdelay $0x3  }
0xab: {  	v3 =	vperm.xlane v3, v2  }
0xac: {  	[tilespmem:s18], [sflag:$0x1] =	stream.indirect_vreg.gather [hbm4b:s3+s2], $0x80, v4, vm0, $0xb8;
	[tilespmem:$0x18080] =	vst v63  }
0xad: {  	v3 =	vadd.s32 v1, v3  }
0xae: {  	[tilespmem:s19], [sflag:$0x1] =	stream.indirect_vreg.gather [hbm4b:s4+s2], $0x80, v4, vm0, $0xb8;
	[tilespmem:$0x18080] =	vst v63  }
0xaf: {  	_ = 	snop  }
0xb0: {  	[tilespmem:s20], [sflag:$0x1] =	stream.indirect_vreg.gather [hbm4b:s5+s2], $0x80, v4, vm0, $0xb8;
	[tilespmem:$0x18080] =	vst v63  }
0xb1: {  	_ = 	snop  }
0xb2: {  	[tilespmem:s21], [sflag:$0x1] =	stream.indirect_vreg.gather [hbm4b:s3+s2], $0x80, v3, vm0, $0xb8;
	[tilespmem:$0x18080] =	vst v63  }
0xb3: {  	_ = 	snop  }
0xb4: {  	[tilespmem:s22], [sflag:$0x1] =	stream.indirect_vreg.gather [hbm4b:s4+s2], $0x80, v3, vm0, $0xb8;
	[tilespmem:$0x18080] =	vst v63  }
0xb5: {  	_ = 	snop  }
0xb6: {  	[tilespmem:s23], [sflag:$0x1] =	stream.indirect_vreg.gather [hbm4b:s5+s2], $0x80, v3, vm0, $0xb8;
	[tilespmem:$0x18080] =	vst v63  }
0xb7: {  	v3 =	vld [tilespmem:$0x70];
	_ =	sdelay $0x4  }
0xb8: {  	v63 =	vshrl.u32 v3, $0x3  }
0xb9: {  	v4 =	vmul.u32 $0x30, v63  }
0xba: {  	v3 =	vand.u32 $0x7, v3  }
0xbb: {  	v3 =	vor.u32 v3, v4  }
0xbc: {  	v4 =	vperm.xlane v3, v0;
	_ =	sdelay $0x1  }
0xbd: {  	v4 =	vadd.s32 v1, v4;
	_ =	sdelay $0x3  }
0xbe: {  	v3 =	vperm.xlane v3, v2  }
0xbf: {  	[tilespmem:s24], [sflag:$0x1] =	stream.indirect_vreg.gather [hbm4b:s3+s2], $0x80, v4, vm0, $0xb8;
	[tilespmem:$0x18080] =	vst v63  }
0xc0: {  	v3 =	vadd.s32 v1, v3  }
0xc1: {  	[tilespmem:s25], [sflag:$0x1] =	stream.indirect_vreg.gather [hbm4b:s4+s2], $0x80, v4, vm0, $0xb8;
	[tilespmem:$0x18080] =	vst v63  }
0xc2: {  	_ = 	snop  }
0xc3: {  	[tilespmem:s26], [sflag:$0x1] =	stream.indirect_vreg.gather [hbm4b:s5+s2], $0x80, v4, vm0, $0xb8;
	[tilespmem:$0x18080] =	vst v63  }
0xc4: {  	_ = 	snop  }
0xc5: {  	[tilespmem:s28], [sflag:$0x1] =	stream.indirect_vreg.gather [hbm4b:s3+s2], $0x80, v3, vm0, $0xb8;
	[tilespmem:$0x18080] =	vst v63  }
0xc6: {  	_ = 	snop  }
0xc7: {  	[tilespmem:s29], [sflag:$0x1] =	stream.indirect_vreg.gather [hbm4b:s4+s2], $0x80, v3, vm0, $0xb8;
	[tilespmem:$0x18080] =	vst v63  }
0xc8: {  	_ = 	snop  }
0xc9: {  	[tilespmem:s30], [sflag:$0x1] =	stream.indirect_vreg.gather [hbm4b:s5+s2], $0x80, v3, vm0, $0xb8;
	[tilespmem:$0x18080] =	vst v63  }
0xca: {  	_ =	swait.ge [sflag:s9], $0xC000  }
0xcb: {  	[sflag:s9] =	ssyncset.done $0x0  }
0xcc: {  	s11 =	rddreg [dreg:$0x5];
	[sflag:s9] =	ssyncadd.s32 $0xFFFF4000  }
0xcd: {  	[hbm4b:s11+s2] =	stream.linear.scatter [tilespmem:s10], [sflag:$0x3], $0xC000, $0x38;
	[tilespmem:$0x18080] =	vst v63  }
0xce: {  	p0 =	sne.s32 s6, $0x1;
	_ =	swait.ge [sflag:s31], $0xC000  }
.Ltmp0:
0xcf: {  	[sflag:s31] =	ssyncset.done $0x0;
	(pc) =	sbr.rel @p0 .LBB2_1-.Ltmp0, $4  }
0xd0: {  	[sflag:s31] =	ssyncadd.s32 $0xFFFF4000  }
0xd1: {  	_ =	swait.ge [sflag:s1], $0xC000  }
0xd2: {  	[sflag:s1] =	ssyncset.done $0x0  }
0xd3: {  	s6 =	sadd.s32 $0xFFFFFFFF, s6;
	[sflag:s1] =	ssyncadd.s32 $0xFFFF4000  }
0xd4: {  	_ =	sfence.sel $0x180000  }
0xd5: {  	[bflag:$0x0] =	sbarrier.arrive $0xFFFF  }
0xd6: {  	_ =	strace $0x9000004A  }
0xd7: {  	s0 =	stileid.u32;
	[bflag:$0x2] =	sbarrier.arrive $0xFFFF  }
0xd8: {  	p0 =	sne.s32 s0, $0x0;
	s0 =	rddreg [dreg:$0x2]  }
0xd9: {  	s0 =	sadd.s32 @!p0 $0x100000, s0  }
0xda: {  	[sflag:s0] =	ssyncadd.tile.s32 @!p0 $0x1;
	_ =	shalt  }
.Lfunc_end2:
_tile_overlayer_lowered:
.L_overlay_start_2:
0xdb: {  	(tag) =	ssettag $0x2  }
0xdc: {  	s0 =	rddreg [dreg:$0x0];
	s2 =	stileid.u32  }
0xdd: {  	s1 =	rddreg [dreg:$0x1];
	p0 =	sne.s32 s2, $0x0  }
0xde: {  	s3 =	rddreg [dreg:$0x2];
	[bflag:$0x3] =	sbarrier.arrive $0xFFFF;
	s2 =	simm.s32 @!p0 $0x1C04  }
0xdf: {  	[timem:s3], [sflag:s2] =	dma.local @!p0 [hbm:s0], s1  }
0xe0: {  	s0 =	simm.s32 @!p0 $0x4  }
0xe1: {  	_ =	swait.ge @!p0 [sflag:s0], s1  }
0xe2: {  	s1 =	ssub.s32 @!p0 $0x0, s1;
	[sflag:s0] =	ssyncset.done @!p0 $0x0  }
0xe3: {  	[sflag:s0] =	ssyncadd.s32 @!p0 s1  }
0xe4: {  	[bflag:$0x3] =	sbarrier.arrive $0xFFFF  }
0xe5: {  	_ =	shalt  }

</sc_bundles>
